<compile_context>
chip_gen: v7x
topology: tpu7x:2x2x1
jax: 0.10.2.dev20260603
libtpu: 0.0.44.dev20260713+nightly
codegen_flags: <defaults>
</compile_context>

<pallas_src>
import jax
import jax.numpy as jnp
from jax import lax
from jax.experimental import pallas as pl
from jax.experimental.pallas import tpu as pltpu
from jax.experimental.pallas import tpu_sc as plsc

N = 10000
NPAD = 10240
E = 320000
D = 128

NC = 2
NS = 16
NW = NC * NS

CHUNK = 64
P = 160
NCHUNKS = NW * P
EPAD = NCHUNKS * CHUNK
NB = 1
GROUP = NB * CHUNK
NG = P // NB
ROWS_PER_TILE = NPAD // NS
DEGW = 16
DEGWIN = 16

_mesh = plsc.VectorSubcoreMesh(core_axis_name="c", subcore_axis_name="s")

_sc_params = pltpu.CompilerParams(use_tc_tiling_on_sc=False)


def _deg_body(ei3_hbm, zeros8_hbm, ones8_hbm, degp_hbm,
              deg_sh, cidx_v, ones_v, dsem):
    c = lax.axis_index("c")
    s = lax.axis_index("s")
    wid = s * NC + c
    pltpu.sync_copy(zeros8_hbm, deg_sh.at[pl.ds(s * ROWS_PER_TILE, ROWS_PER_TILE)])
    pltpu.sync_copy(ones8_hbm, ones_v)
    pltpu.sync_copy(ei3_hbm.at[1, pl.ds(wid * P, P)], cidx_v)
    plsc.subcore_barrier()

    def body(j, _):
        @pl.when(j < P)
        def _():
            pltpu.async_copy(ones_v, deg_sh.at[cidx_v.at[j]], dsem, add=True)

        @pl.when(j >= DEGWIN)
        def _():
            pltpu.make_async_copy(ones8_hbm, ones_v, dsem).wait()

        return None

    lax.fori_loop(0, P + DEGWIN, body, None)
    plsc.subcore_barrier()
    pltpu.sync_copy(
        deg_sh.at[pl.ds(s * ROWS_PER_TILE, ROWS_PER_TILE), pl.ds(0, 8)],
        degp_hbm.at[c, pl.ds(s * ROWS_PER_TILE, ROWS_PER_TILE)],
    )


_deg_call = pl.kernel(
    _deg_body,
    out_type=jax.ShapeDtypeStruct((NC, NPAD, 8), jnp.float32),
    mesh=_mesh,
    scratch_types=[
        pltpu.VMEM_SHARED((NPAD, DEGW), jnp.float32),
        pltpu.VMEM((P, CHUNK), jnp.int32),
        pltpu.VMEM((CHUNK, DEGW), jnp.float32),
        pltpu.SemaphoreType.DMA,
    ],
    compiler_params=_sc_params,
)


_NS_SLOTS = 5


def _agg_body(ei3_hbm, xs_hbm, zerosd_hbm, aggp_hbm,
              acc_sh, ridx_v, cidx_v, rows_v, isems, gsems, ssems):
    c = lax.axis_index("c")
    s = lax.axis_index("s")
    wid = s * NC + c
    pltpu.sync_copy(zerosd_hbm, acc_sh.at[pl.ds(s * ROWS_PER_TILE, ROWS_PER_TILE)])
    plsc.subcore_barrier()

    def idxload(j, slot):
        pltpu.async_copy(ei3_hbm.at[0, wid * P + j], ridx_v.at[slot], isems[slot])
        pltpu.async_copy(ei3_hbm.at[1, wid * P + j], cidx_v.at[slot], isems[slot])

    def gather(slot):
        pltpu.async_copy(xs_hbm.at[ridx_v.at[slot]], rows_v.at[slot], gsems[slot])

    def scatter(slot):
        pltpu.async_copy(rows_v.at[slot], acc_sh.at[cidx_v.at[slot]],
                         ssems[slot], add=True)

    def drain_rows(slot, sem):
        pltpu.make_async_copy(xs_hbm.at[pl.ds(0, CHUNK)], rows_v.at[slot], sem).wait()

    def drain_idx(slot):
        pltpu.make_async_copy(ei3_hbm.at[0, 0], ridx_v.at[slot], isems[slot]).wait()
        pltpu.make_async_copy(ei3_hbm.at[1, 0], cidx_v.at[slot], isems[slot]).wait()

    def substep(j, r, load):
        @pl.when(j >= _NS_SLOTS)
        def _():
            drain_rows(r, ssems[r])

        if load:
            idxload(j, r)

        @pl.when(j >= 1)
        def _():
            r1 = (r + _NS_SLOTS - 1) % _NS_SLOTS
            drain_idx(r1)
            gather(r1)

        @pl.when(j >= 3)
        def _():
            r3 = (r + _NS_SLOTS - 3) % _NS_SLOTS
            drain_rows(r3, gsems[r3])
            scatter(r3)

    def body(t, _):
        for r in range(_NS_SLOTS):
            substep(_NS_SLOTS * t + r, r, True)
        return None

    lax.fori_loop(0, P // _NS_SLOTS, body, None)
    substep(P, P % _NS_SLOTS, False)
    for jj in (P - 2, P - 1):
        drain_rows(jj % _NS_SLOTS, gsems[jj % _NS_SLOTS])
        scatter(jj % _NS_SLOTS)
    for jj in range(P - 4, P):
        drain_rows(jj % _NS_SLOTS, ssems[jj % _NS_SLOTS])
    plsc.subcore_barrier()
    pltpu.sync_copy(
        acc_sh.at[pl.ds(s * ROWS_PER_TILE, ROWS_PER_TILE)],
        aggp_hbm.at[c, pl.ds(s * ROWS_PER_TILE, ROWS_PER_TILE)],
    )


_agg_call = pl.kernel(
    _agg_body,
    out_type=jax.ShapeDtypeStruct((NC, NPAD, D), jnp.float32),
    mesh=_mesh,
    scratch_types=[
        pltpu.VMEM_SHARED((NPAD, D), jnp.float32),
        pltpu.VMEM((_NS_SLOTS, CHUNK), jnp.int32),
        pltpu.VMEM((_NS_SLOTS, CHUNK), jnp.int32),
        pltpu.VMEM((_NS_SLOTS, CHUNK, D), jnp.float32),
        [pltpu.SemaphoreType.DMA] * _NS_SLOTS,
        [pltpu.SemaphoreType.DMA] * _NS_SLOTS,
        [pltpu.SemaphoreType.DMA] * _NS_SLOTS,
    ],
    compiler_params=_sc_params,
)

_BN = 1000


def _prescale_body(degp_ref, x_ref, xs_ref):
    deg = degp_ref[0, :, 0:1] + degp_ref[1, :, 0:1]
    dis = jnp.where(deg > 0.0, lax.rsqrt(deg), 0.0)
    xs_ref[...] = x_ref[...] * dis


def _prescale(degp, x):
    return pl.pallas_call(
        _prescale_body,
        grid=(N // _BN,),
        in_specs=[
            pl.BlockSpec((NC, _BN, 8), lambda i: (0, i, 0)),
            pl.BlockSpec((_BN, D), lambda i: (i, 0)),
        ],
        out_specs=pl.BlockSpec((_BN, D), lambda i: (i, 0)),
        out_shape=jax.ShapeDtypeStruct((N, D), jnp.float32),
    )(degp, x)


def _final_body(degp_ref, aggp_ref, w_ref, b_ref, o_ref):
    deg = degp_ref[0, :, 0:1] + degp_ref[1, :, 0:1]
    dis = jnp.where(deg > 0.0, lax.rsqrt(deg), 0.0)
    acc = (aggp_ref[0] + aggp_ref[1]) * dis
    o_ref[...] = lax.dot_general(
        acc, w_ref[...], (((1,), (1,)), ((), ())),
        preferred_element_type=jnp.float32,
    ) + b_ref[...]


def _final(degp, aggp, W_w, W_b2):
    return pl.pallas_call(
        _final_body,
        grid=(N // _BN,),
        in_specs=[
            pl.BlockSpec((NC, _BN, 8), lambda i: (0, i, 0)),
            pl.BlockSpec((NC, _BN, D), lambda i: (0, i, 0)),
            pl.BlockSpec((D, D), lambda i: (0, 0)),
            pl.BlockSpec((1, D), lambda i: (0, 0)),
        ],
        out_specs=pl.BlockSpec((_BN, D), lambda i: (i, 0)),
        out_shape=jax.ShapeDtypeStruct((N, D), jnp.float32),
    )(degp, aggp, W_w, W_b2)


@jax.jit
def kernel(x, edge_index, x0, W_w, W_b):
    del x0
    padr = jnp.arange(EPAD - E, dtype=jnp.int32) % N
    padc = N + jnp.arange(EPAD - E, dtype=jnp.int32) % (NPAD - N)
    ei3 = jnp.concatenate(
        [edge_index, jnp.stack([padr, padc])], axis=1
    ).reshape(2, NCHUNKS, CHUNK)
    zeros8 = jnp.zeros((ROWS_PER_TILE, DEGW), jnp.float32)
    ones8 = jnp.ones((CHUNK, DEGW), jnp.float32)
    zerosd = jnp.zeros((ROWS_PER_TILE, D), jnp.float32)
    degp = _deg_call(ei3, zeros8, ones8)
    xs = _prescale(degp, x)
    aggp = _agg_call(ei3, xs, zerosd)
    return _final(degp, aggp, W_w, W_b.reshape(1, D))

# --- scband reference (transcript-rebuilt; emitter-appended) ---
"""Pipeline reference for scband-graph-conv-layer-15126874817099 (READ-ONLY COPY).

The authoritative reference and input builder live on the scoring server;
editing this copy changes nothing except your own understanding.
"""

import jax, jax.numpy as jnp
import numpy as np

N_NODES = 10000
N_EDGES = 320000
D_IN = 128
D_OUT = 128


def setup_inputs(seed: int = 0) -> dict:
    key = jax.random.key(seed)
    k1, k2, k3, k4, k5 = jax.random.split(key, 5)
    x = jax.random.normal(k1, (N_NODES, D_IN), dtype=jnp.float32)
    edge_index = jax.random.randint(k2, (2, N_EDGES), 0, N_NODES, dtype=jnp.int64 if jax.config.jax_enable_x64 else jnp.int32).astype(jnp.int32)
    x0 = jax.random.normal(k3, (N_NODES, D_IN), dtype=jnp.float32)
    # Linear layer params (use_init=False so in_channels_ = in_channels)
    bound = 1.0 / np.sqrt(D_IN)
    W_w = jax.random.uniform(k4, (D_OUT, D_IN), minval=-bound, maxval=bound, dtype=jnp.float32)
    W_b = jax.random.uniform(k5, (D_OUT,), minval=-bound, maxval=bound, dtype=jnp.float32)
    return {"x": x, "edge_index": edge_index, "x0": x0, "W_w": W_w, "W_b": W_b}


def reference(x, edge_index, x0, W_w, W_b):
    # gcn_norm with add_self_loops=False
    N = x.shape[0]
    row = edge_index[0]
    col = edge_index[1]
    edge_weight = jnp.ones((edge_index.shape[1],), dtype=x.dtype)
    deg = jnp.zeros((N,), dtype=x.dtype).at[col].add(edge_weight)
    deg_inv_sqrt = jnp.power(deg, -0.5)
    deg_inv_sqrt = jnp.where(jnp.isinf(deg_inv_sqrt), 0.0, deg_inv_sqrt)
    norm = deg_inv_sqrt[row] * edge_weight * deg_inv_sqrt[col]
    # adj_t = SparseTensor(row=col, col=row, value=norm); matmul(adj_t, x):
    # out[col] += norm * x[row]  (scatter-add aggregation to destination nodes)
    msgs = jnp.take(x, row, axis=0) * norm[:, None]
    agg = jnp.zeros((N, x.shape[1]), dtype=x.dtype).at[col].add(msgs)
    # use_init=False, use_weight=True -> apply linear W
    out = agg @ W_w.T + W_b
    return out

if __name__ == "__main__":
    import jax
    _d = setup_inputs()
    print(jax.jit(kernel)(*tuple(_d.values())))

</pallas_src>

<mosaic_0001>
#map = affine_map<(d0, d1) -> (0, 0, 0)>
#map1 = affine_map<(d0, d1) -> (0, 0)>
module attributes {stable_mosaic.version = 14 : i64} {
  func.func @_deg_body(%arg0: i32, %arg1: i32, %arg2: memref<2x5120x64xi32, #tpu.memory_space<hbm>>, %arg3: memref<640x16xf32, #tpu.memory_space<hbm>>, %arg4: memref<64x16xf32, #tpu.memory_space<hbm>>, %arg5: memref<2x10240x8xf32, #tpu.memory_space<hbm>>, %arg6: memref<10240x16xf32, #tpu.memory_space<vmem_shared>>, %arg7: memref<160x64xi32, #tpu.memory_space<vmem>>, %arg8: memref<64x16xf32, #tpu.memory_space<vmem>>, %arg9: memref<!tpu.dma_semaphore, #tpu.memory_space<semaphore_mem>>) attributes {dimension_semantics = [#tpu.dimension_semantics<core_parallel>, #tpu.dimension_semantics<subcore_parallel>], iteration_bounds = array<i64: 2, 16>, scalar_prefetch = 0 : i64, scratch_operands = 4 : i64, tpu.core_type = #tpu.core_type<sc_vector_subcore>, window_params = [{transform_indices = #map}, {transform_indices = #map1}, {transform_indices = #map1}, {transform_indices = #map}]} {
    %mul3A = arith.constant 2 : i32
    %mul3A_0 = arith.muli %arg1, %mul3A : i32
    %add3A = arith.addi %mul3A_0, %arg0 : i32
    %mul3A_1 = arith.constant 640 : i32
    %mul3A_2 = arith.muli %arg1, %mul3A_1 : i32
    "tpu.region"() ({
      %run_scoped3A_14 = tpu.sem_alloc : memref<!tpu.dma_semaphore, #tpu.memory_space<semaphore_mem>>
      %dma_start3A = arith.constant 0 : i32
      %dma_start3A_15 = tpu.memref_slice %arg6[%mul3A_2, %dma_start3A] : memref<10240x16xf32, #tpu.memory_space<vmem_shared>> -> memref<640x16xf32, #tpu.memory_space<vmem_shared>>
      tpu.enqueue_dma source(%arg3 : memref<640x16xf32, #tpu.memory_space<hbm>>) target(%dma_start3A_15 : memref<640x16xf32, #tpu.memory_space<vmem_shared>>) target_semaphore(%run_scoped3A_14 : memref<!tpu.dma_semaphore, #tpu.memory_space<semaphore_mem>>)
      %dma_wait3A = arith.constant 0 : i32
      %dma_wait3A_16 = tpu.memref_slice %arg6[%mul3A_2, %dma_wait3A] : memref<10240x16xf32, #tpu.memory_space<vmem_shared>> -> memref<640x16xf32, #tpu.memory_space<vmem_shared>>
      tpu.wait_dma2 semaphore(%run_scoped3A_14 : memref<!tpu.dma_semaphore, #tpu.memory_space<semaphore_mem>>) src(%arg3 : memref<640x16xf32, #tpu.memory_space<hbm>>) dst(%dma_wait3A_16 : memref<640x16xf32, #tpu.memory_space<vmem_shared>>)
      tpu.yield
    }) : () -> ()
    "tpu.region"() ({
      %run_scoped3A_14 = tpu.sem_alloc : memref<!tpu.dma_semaphore, #tpu.memory_space<semaphore_mem>>
      tpu.enqueue_dma source(%arg4 : memref<64x16xf32, #tpu.memory_space<hbm>>) target(%arg8 : memref<64x16xf32, #tpu.memory_space<vmem>>) target_semaphore(%run_scoped3A_14 : memref<!tpu.dma_semaphore, #tpu.memory_space<semaphore_mem>>)
      tpu.wait_dma2 semaphore(%run_scoped3A_14 : memref<!tpu.dma_semaphore, #tpu.memory_space<semaphore_mem>>) src(%arg4 : memref<64x16xf32, #tpu.memory_space<hbm>>) dst(%arg8 : memref<64x16xf32, #tpu.memory_space<vmem>>)
      tpu.yield
    }) : () -> ()
    %mul3A_3 = arith.constant 160 : i32
    %mul3A_4 = arith.muli %add3A, %mul3A_3 : i32
    %run_scoped3A = arith.constant 1 : i32
    "tpu.region"() ({
      %run_scoped3A_14 = tpu.sem_alloc : memref<!tpu.dma_semaphore, #tpu.memory_space<semaphore_mem>>
      %dma_start3A = arith.constant 0 : i32
      %dma_start3A_15 = tpu.memref_slice %arg2[%run_scoped3A, %mul3A_4, %dma_start3A] : memref<2x5120x64xi32, #tpu.memory_space<hbm>> -> memref<1x160x64xi32, #tpu.memory_space<hbm>>
      %dma_start3A_16 = tpu.memref_squeeze %dma_start3A_15 : memref<1x160x64xi32, #tpu.memory_space<hbm>> -> memref<160x64xi32, #tpu.memory_space<hbm>>
      %dma_start3A_17 = arith.constant 0 : i32
      %dma_start3A_18 = tpu.memref_slice %arg2[%run_scoped3A, %mul3A_4, %dma_start3A_17] : memref<2x5120x64xi32, #tpu.memory_space<hbm>> -> memref<1x160x64xi32, #tpu.memory_space<hbm>>
      %dma_start3A_19 = tpu.memref_squeeze %dma_start3A_18 : memref<1x160x64xi32, #tpu.memory_space<hbm>> -> memref<160x64xi32, #tpu.memory_space<hbm>>
      tpu.enqueue_dma source(%dma_start3A_19 : memref<160x64xi32, #tpu.memory_space<hbm>>) target(%arg7 : memref<160x64xi32, #tpu.memory_space<vmem>>) target_semaphore(%run_scoped3A_14 : memref<!tpu.dma_semaphore, #tpu.memory_space<semaphore_mem>>)
      %dma_wait3A = arith.constant 0 : i32
      %dma_wait3A_20 = tpu.memref_slice %arg2[%run_scoped3A, %mul3A_4, %dma_wait3A] : memref<2x5120x64xi32, #tpu.memory_space<hbm>> -> memref<1x160x64xi32, #tpu.memory_space<hbm>>
      %dma_wait3A_21 = tpu.memref_squeeze %dma_wait3A_20 : memref<1x160x64xi32, #tpu.memory_space<hbm>> -> memref<160x64xi32, #tpu.memory_space<hbm>>
      %dma_wait3A_22 = arith.constant 0 : i32
      %dma_wait3A_23 = tpu.memref_slice %arg2[%run_scoped3A, %mul3A_4, %dma_wait3A_22] : memref<2x5120x64xi32, #tpu.memory_space<hbm>> -> memref<1x160x64xi32, #tpu.memory_space<hbm>>
      %dma_wait3A_24 = tpu.memref_squeeze %dma_wait3A_23 : memref<1x160x64xi32, #tpu.memory_space<hbm>> -> memref<160x64xi32, #tpu.memory_space<hbm>>
      tpu.wait_dma2 semaphore(%run_scoped3A_14 : memref<!tpu.dma_semaphore, #tpu.memory_space<semaphore_mem>>) src(%dma_wait3A_24 : memref<160x64xi32, #tpu.memory_space<hbm>>) dst(%arg7 : memref<160x64xi32, #tpu.memory_space<vmem>>)
      tpu.yield
    }) : () -> ()
    %barrier3A = arith.constant 0 : index
    tpu.barrier barrier_id(%barrier3A)
    %scan3A = arith.constant 0 : i32
    %scan3A_5 = arith.constant 176 : i32
    %scan3A_6 = arith.addi %scan3A, %scan3A_5 : i32
    %scan3A_7 = arith.constant 1 : i32
    scf.for %scan3A_14 = %scan3A to %scan3A_6 step %scan3A_7  : i32 {
      %lt3A = arith.constant 160 : i32
      %lt3A_15 = arith.cmpi slt, %scan3A_14, %lt3A : i32
      %convert_element_type3A = arith.extui %lt3A_15 : i1 to i32
      %cond3A = arith.constant 0 : i32
      %cond3A_16 = arith.cmpi ne, %convert_element_type3A, %cond3A : i32
      scf.if %cond3A_16 {
        %dma_start3A = arith.constant 0 : i32
        %dma_start3A_21 = tpu.memref_slice %arg7[%scan3A_14, %dma_start3A] : memref<160x64xi32, #tpu.memory_space<vmem>> -> memref<1x64xi32, #tpu.memory_space<vmem>>
        %dma_start3A_22 = tpu.memref_squeeze %dma_start3A_21 : memref<1x64xi32, #tpu.memory_space<vmem>> -> memref<64xi32, #tpu.memory_space<vmem>>
        %dma_start3A_23 = arith.constant 0 : i32
        %dma_start3A_24 = arith.constant 0 : i32
        %dma_start3A_25 = tpu.memref_slice %arg6[%dma_start3A_23, %dma_start3A_24] : memref<10240x16xf32, #tpu.memory_space<vmem_shared>> -> memref<10240x16xf32, #tpu.memory_space<vmem_shared>>
        tpu.enqueue_indirect_dma source(%arg8 : memref<64x16xf32, #tpu.memory_space<vmem>>) target(%dma_start3A_25 : memref<10240x16xf32, #tpu.memory_space<vmem_shared>>) offsets(%dma_start3A_22 : memref<64xi32, #tpu.memory_space<vmem>>) semaphore(%arg9 : memref<!tpu.dma_semaphore, #tpu.memory_space<semaphore_mem>>) {add = true}
      } else {
      }
      %ge3A = arith.constant 16 : i32
      %ge3A_17 = arith.cmpi sge, %scan3A_14, %ge3A : i32
      %convert_element_type3A_18 = arith.extui %ge3A_17 : i1 to i32
      %cond3A_19 = arith.constant 0 : i32
      %cond3A_20 = arith.cmpi ne, %convert_element_type3A_18, %cond3A_19 : i32
      scf.if %cond3A_20 {
        tpu.wait_dma2 semaphore(%arg9 : memref<!tpu.dma_semaphore, #tpu.memory_space<semaphore_mem>>) src(%arg4 : memref<64x16xf32, #tpu.memory_space<hbm>>) dst(%arg8 : memref<64x16xf32, #tpu.memory_space<vmem>>)
      } else {
      }
    }
    %scan3A_8 = arith.constant 176 : i32
    %barrier3A_9 = arith.constant 0 : index
    tpu.barrier barrier_id(%barrier3A_9)
    %mul3A_10 = arith.constant 640 : i32
    %mul3A_11 = arith.muli %arg1, %mul3A_10 : i32
    %mul3A_12 = arith.constant 640 : i32
    %mul3A_13 = arith.muli %arg1, %mul3A_12 : i32
    "tpu.region"() ({
      %run_scoped3A_14 = tpu.sem_alloc : memref<!tpu.dma_semaphore, #tpu.memory_space<semaphore_mem>>
      %dma_start3A = arith.constant 0 : i32
      %dma_start3A_15 = tpu.memref_slice %arg5[%arg0, %mul3A_13, %dma_start3A] : memref<2x10240x8xf32, #tpu.memory_space<hbm>> -> memref<1x640x8xf32, #tpu.memory_space<hbm>>
      %dma_start3A_16 = tpu.memref_squeeze %dma_start3A_15 : memref<1x640x8xf32, #tpu.memory_space<hbm>> -> memref<640x8xf32, #tpu.memory_space<hbm>>
      %dma_start3A_17 = arith.constant 0 : i32
      %dma_start3A_18 = tpu.memref_slice %arg6[%mul3A_11, %dma_start3A_17] : memref<10240x16xf32, #tpu.memory_space<vmem_shared>> -> memref<640x8xf32, #tpu.memory_space<vmem_shared>>
      tpu.enqueue_dma source(%dma_start3A_18 : memref<640x8xf32, #tpu.memory_space<vmem_shared>>) target(%dma_start3A_16 : memref<640x8xf32, #tpu.memory_space<hbm>>) target_semaphore(%run_scoped3A_14 : memref<!tpu.dma_semaphore, #tpu.memory_space<semaphore_mem>>)
      %dma_wait3A = arith.constant 0 : i32
      %dma_wait3A_19 = tpu.memref_slice %arg5[%arg0, %mul3A_13, %dma_wait3A] : memref<2x10240x8xf32, #tpu.memory_space<hbm>> -> memref<1x640x8xf32, #tpu.memory_space<hbm>>
      %dma_wait3A_20 = tpu.memref_squeeze %dma_wait3A_19 : memref<1x640x8xf32, #tpu.memory_space<hbm>> -> memref<640x8xf32, #tpu.memory_space<hbm>>
      %dma_wait3A_21 = arith.constant 0 : i32
      %dma_wait3A_22 = tpu.memref_slice %arg6[%mul3A_11, %dma_wait3A_21] : memref<10240x16xf32, #tpu.memory_space<vmem_shared>> -> memref<640x8xf32, #tpu.memory_space<vmem_shared>>
      tpu.wait_dma2 semaphore(%run_scoped3A_14 : memref<!tpu.dma_semaphore, #tpu.memory_space<semaphore_mem>>) src(%dma_wait3A_22 : memref<640x8xf32, #tpu.memory_space<vmem_shared>>) dst(%dma_wait3A_20 : memref<640x8xf32, #tpu.memory_space<hbm>>)
      tpu.yield
    }) : () -> ()
    return
  }
}

#map = affine_map<(d0, d1) -> (0, 0, 0)>
#map1 = affine_map<(d0, d1) -> (0, 0)>
module attributes {stable_mosaic.version = 14 : i64} {
  func.func @_agg_body(%arg0: i32, %arg1: i32, %arg2: memref<2x5120x64xi32, #tpu.memory_space<hbm>>, %arg3: memref<10000x128xf32, #tpu.memory_space<hbm>>, %arg4: memref<640x128xf32, #tpu.memory_space<hbm>>, %arg5: memref<2x10240x128xf32, #tpu.memory_space<hbm>>, %arg6: memref<10240x128xf32, #tpu.memory_space<vmem_shared>>, %arg7: memref<5x64xi32, #tpu.memory_space<vmem>>, %arg8: memref<5x64xi32, #tpu.memory_space<vmem>>, %arg9: memref<5x64x128xf32, #tpu.memory_space<vmem>>, %arg10: memref<!tpu.dma_semaphore, #tpu.memory_space<semaphore_mem>>, %arg11: memref<!tpu.dma_semaphore, #tpu.memory_space<semaphore_mem>>, %arg12: memref<!tpu.dma_semaphore, #tpu.memory_space<semaphore_mem>>, %arg13: memref<!tpu.dma_semaphore, #tpu.memory_space<semaphore_mem>>, %arg14: memref<!tpu.dma_semaphore, #tpu.memory_space<semaphore_mem>>, %arg15: memref<!tpu.dma_semaphore, #tpu.memory_space<semaphore_mem>>, %arg16: memref<!tpu.dma_semaphore, #tpu.memory_space<semaphore_mem>>, %arg17: memref<!tpu.dma_semaphore, #tpu.memory_space<semaphore_mem>>, %arg18: memref<!tpu.dma_semaphore, #tpu.memory_space<semaphore_mem>>, %arg19: memref<!tpu.dma_semaphore, #tpu.memory_space<semaphore_mem>>, %arg20: memref<!tpu.dma_semaphore, #tpu.memory_space<semaphore_mem>>, %arg21: memref<!tpu.dma_semaphore, #tpu.memory_space<semaphore_mem>>, %arg22: memref<!tpu.dma_semaphore, #tpu.memory_space<semaphore_mem>>, %arg23: memref<!tpu.dma_semaphore, #tpu.memory_space<semaphore_mem>>, %arg24: memref<!tpu.dma_semaphore, #tpu.memory_space<semaphore_mem>>) attributes {dimension_semantics = [#tpu.dimension_semantics<core_parallel>, #tpu.dimension_semantics<subcore_parallel>], iteration_bounds = array<i64: 2, 16>, scalar_prefetch = 0 : i64, scratch_operands = 19 : i64, tpu.core_type = #tpu.core_type<sc_vector_subcore>, window_params = [{transform_indices = #map}, {transform_indices = #map1}, {transform_indices = #map1}, {transform_indices = #map}]} {
    %mul3A = arith.constant 2 : i32
    %mul3A_0 = arith.muli %arg1, %mul3A : i32
    %add3A = arith.addi %mul3A_0, %arg0 : i32
    %mul3A_1 = arith.constant 640 : i32
    %mul3A_2 = arith.muli %arg1, %mul3A_1 : i32
    "tpu.region"() ({
      %run_scoped3A = tpu.sem_alloc : memref<!tpu.dma_semaphore, #tpu.memory_space<semaphore_mem>>
      %dma_start3A_208 = arith.constant 0 : i32
      %dma_start3A_209 = tpu.memref_slice %arg6[%mul3A_2, %dma_start3A_208] : memref<10240x128xf32, #tpu.memory_space<vmem_shared>> -> memref<640x128xf32, #tpu.memory_space<vmem_shared>>
      tpu.enqueue_dma source(%arg4 : memref<640x128xf32, #tpu.memory_space<hbm>>) target(%dma_start3A_209 : memref<640x128xf32, #tpu.memory_space<vmem_shared>>) target_semaphore(%run_scoped3A : memref<!tpu.dma_semaphore, #tpu.memory_space<semaphore_mem>>)
      %dma_wait3A_210 = arith.constant 0 : i32
      %dma_wait3A_211 = tpu.memref_slice %arg6[%mul3A_2, %dma_wait3A_210] : memref<10240x128xf32, #tpu.memory_space<vmem_shared>> -> memref<640x128xf32, #tpu.memory_space<vmem_shared>>
      tpu.wait_dma2 semaphore(%run_scoped3A : memref<!tpu.dma_semaphore, #tpu.memory_space<semaphore_mem>>) src(%arg4 : memref<640x128xf32, #tpu.memory_space<hbm>>) dst(%dma_wait3A_211 : memref<640x128xf32, #tpu.memory_space<vmem_shared>>)
      tpu.yield
    }) : () -> ()
    %barrier3A = arith.constant 0 : index
    tpu.barrier barrier_id(%barrier3A)
    %scan3A = arith.constant 0 : i32
    %scan3A_3 = arith.constant 32 : i32
    %scan3A_4 = arith.addi %scan3A, %scan3A_3 : i32
    %scan3A_5 = arith.constant 1 : i32
    scf.for %scan3A_208 = %scan3A to %scan3A_4 step %scan3A_5  : i32 {
      %mul3A_209 = arith.constant 5 : i32
      %mul3A_210 = arith.muli %mul3A_209, %scan3A_208 : i32
      %add3A_211 = arith.constant 0 : i32
      %add3A_212 = arith.addi %mul3A_210, %add3A_211 : i32
      %ge3A = arith.constant 5 : i32
      %ge3A_213 = arith.cmpi sge, %add3A_212, %ge3A : i32
      %convert_element_type3A = arith.extui %ge3A_213 : i1 to i32
      %cond3A = arith.constant 0 : i32
      %cond3A_214 = arith.cmpi ne, %convert_element_type3A, %cond3A : i32
      scf.if %cond3A_214 {
        %dma_wait3A_471 = arith.constant 0 : i32
        %dma_wait3A_472 = arith.constant 0 : i32
        %dma_wait3A_473 = arith.constant 0 : i32
        %dma_wait3A_474 = tpu.memref_slice %arg9[%dma_wait3A_471, %dma_wait3A_472, %dma_wait3A_473] : memref<5x64x128xf32, #tpu.memory_space<vmem>> -> memref<1x64x128xf32, #tpu.memory_space<vmem>>
        %dma_wait3A_475 = tpu.memref_squeeze %dma_wait3A_474 : memref<1x64x128xf32, #tpu.memory_space<vmem>> -> memref<64x128xf32, #tpu.memory_space<vmem>>
        %dma_wait3A_476 = arith.constant 0 : i32
        %dma_wait3A_477 = arith.constant 0 : i32
        %dma_wait3A_478 = tpu.memref_slice %arg3[%dma_wait3A_476, %dma_wait3A_477] : memref<10000x128xf32, #tpu.memory_space<hbm>> -> memref<64x128xf32, #tpu.memory_space<hbm>>
        %dma_wait3A_479 = arith.constant 0 : i32
        %dma_wait3A_480 = arith.constant 0 : i32
        %dma_wait3A_481 = tpu.memref_slice %arg9[%dma_wait3A_471, %dma_wait3A_479, %dma_wait3A_480] : memref<5x64x128xf32, #tpu.memory_space<vmem>> -> memref<1x64x128xf32, #tpu.memory_space<vmem>>
        %dma_wait3A_482 = tpu.memref_squeeze %dma_wait3A_481 : memref<1x64x128xf32, #tpu.memory_space<vmem>> -> memref<64x128xf32, #tpu.memory_space<vmem>>
        %dma_wait3A_483 = arith.constant 0 : i32
        %dma_wait3A_484 = arith.constant 0 : i32
        %dma_wait3A_485 = tpu.memref_slice %arg3[%dma_wait3A_483, %dma_wait3A_484] : memref<10000x128xf32, #tpu.memory_space<hbm>> -> memref<64x128xf32, #tpu.memory_space<hbm>>
        tpu.wait_dma2 semaphore(%arg20 : memref<!tpu.dma_semaphore, #tpu.memory_space<semaphore_mem>>) src(%dma_wait3A_485 : memref<64x128xf32, #tpu.memory_space<hbm>>) dst(%dma_wait3A_482 : memref<64x128xf32, #tpu.memory_space<vmem>>)
      } else {
      }
      %mul3A_215 = arith.constant 160 : i32
      %mul3A_216 = arith.muli %add3A, %mul3A_215 : i32
      %add3A_217 = arith.addi %mul3A_216, %add3A_212 : i32
      %dma_start3A_218 = arith.constant 0 : i32
      %dma_start3A_219 = arith.constant 0 : i32
      %dma_start3A_220 = arith.constant 0 : i32
      %dma_start3A_221 = tpu.memref_slice %arg7[%dma_start3A_219, %dma_start3A_220] : memref<5x64xi32, #tpu.memory_space<vmem>> -> memref<1x64xi32, #tpu.memory_space<vmem>>
      %dma_start3A_222 = tpu.memref_squeeze %dma_start3A_221 : memref<1x64xi32, #tpu.memory_space<vmem>> -> memref<64xi32, #tpu.memory_space<vmem>>
      %dma_start3A_223 = arith.constant 0 : i32
      %dma_start3A_224 = tpu.memref_slice %arg2[%dma_start3A_218, %add3A_217, %dma_start3A_223] : memref<2x5120x64xi32, #tpu.memory_space<hbm>> -> memref<1x1x64xi32, #tpu.memory_space<hbm>>
      %dma_start3A_225 = tpu.memref_squeeze %dma_start3A_224 : memref<1x1x64xi32, #tpu.memory_space<hbm>> -> memref<64xi32, #tpu.memory_space<hbm>>
      %dma_start3A_226 = arith.constant 0 : i32
      %dma_start3A_227 = tpu.memref_slice %arg7[%dma_start3A_219, %dma_start3A_226] : memref<5x64xi32, #tpu.memory_space<vmem>> -> memref<1x64xi32, #tpu.memory_space<vmem>>
      %dma_start3A_228 = tpu.memref_squeeze %dma_start3A_227 : memref<1x64xi32, #tpu.memory_space<vmem>> -> memref<64xi32, #tpu.memory_space<vmem>>
      %dma_start3A_229 = arith.constant 0 : i32
      %dma_start3A_230 = tpu.memref_slice %arg2[%dma_start3A_218, %add3A_217, %dma_start3A_229] : memref<2x5120x64xi32, #tpu.memory_space<hbm>> -> memref<1x1x64xi32, #tpu.memory_space<hbm>>
      %dma_start3A_231 = tpu.memref_squeeze %dma_start3A_230 : memref<1x1x64xi32, #tpu.memory_space<hbm>> -> memref<64xi32, #tpu.memory_space<hbm>>
      tpu.enqueue_dma source(%dma_start3A_231 : memref<64xi32, #tpu.memory_space<hbm>>) target(%dma_start3A_228 : memref<64xi32, #tpu.memory_space<vmem>>) target_semaphore(%arg10 : memref<!tpu.dma_semaphore, #tpu.memory_space<semaphore_mem>>)
      %mul3A_232 = arith.constant 160 : i32
      %mul3A_233 = arith.muli %add3A, %mul3A_232 : i32
      %add3A_234 = arith.addi %mul3A_233, %add3A_212 : i32
      %dma_start3A_235 = arith.constant 1 : i32
      %dma_start3A_236 = arith.constant 0 : i32
      %dma_start3A_237 = arith.constant 0 : i32
      %dma_start3A_238 = tpu.memref_slice %arg8[%dma_start3A_236, %dma_start3A_237] : memref<5x64xi32, #tpu.memory_space<vmem>> -> memref<1x64xi32, #tpu.memory_space<vmem>>
      %dma_start3A_239 = tpu.memref_squeeze %dma_start3A_238 : memref<1x64xi32, #tpu.memory_space<vmem>> -> memref<64xi32, #tpu.memory_space<vmem>>
      %dma_start3A_240 = arith.constant 0 : i32
      %dma_start3A_241 = tpu.memref_slice %arg2[%dma_start3A_235, %add3A_234, %dma_start3A_240] : memref<2x5120x64xi32, #tpu.memory_space<hbm>> -> memref<1x1x64xi32, #tpu.memory_space<hbm>>
      %dma_start3A_242 = tpu.memref_squeeze %dma_start3A_241 : memref<1x1x64xi32, #tpu.memory_space<hbm>> -> memref<64xi32, #tpu.memory_space<hbm>>
      %dma_start3A_243 = arith.constant 0 : i32
      %dma_start3A_244 = tpu.memref_slice %arg8[%dma_start3A_236, %dma_start3A_243] : memref<5x64xi32, #tpu.memory_space<vmem>> -> memref<1x64xi32, #tpu.memory_space<vmem>>
      %dma_start3A_245 = tpu.memref_squeeze %dma_start3A_244 : memref<1x64xi32, #tpu.memory_space<vmem>> -> memref<64xi32, #tpu.memory_space<vmem>>
      %dma_start3A_246 = arith.constant 0 : i32
      %dma_start3A_247 = tpu.memref_slice %arg2[%dma_start3A_235, %add3A_234, %dma_start3A_246] : memref<2x5120x64xi32, #tpu.memory_space<hbm>> -> memref<1x1x64xi32, #tpu.memory_space<hbm>>
      %dma_start3A_248 = tpu.memref_squeeze %dma_start3A_247 : memref<1x1x64xi32, #tpu.memory_space<hbm>> -> memref<64xi32, #tpu.memory_space<hbm>>
      tpu.enqueue_dma source(%dma_start3A_248 : memref<64xi32, #tpu.memory_space<hbm>>) target(%dma_start3A_245 : memref<64xi32, #tpu.memory_space<vmem>>) target_semaphore(%arg10 : memref<!tpu.dma_semaphore, #tpu.memory_space<semaphore_mem>>)
      %ge3A_249 = arith.constant 1 : i32
      %ge3A_250 = arith.cmpi sge, %add3A_212, %ge3A_249 : i32
      %convert_element_type3A_251 = arith.extui %ge3A_250 : i1 to i32
      %cond3A_252 = arith.constant 0 : i32
      %cond3A_253 = arith.cmpi ne, %convert_element_type3A_251, %cond3A_252 : i32
      scf.if %cond3A_253 {
        %dma_wait3A_471 = arith.constant 0 : i32
        %dma_wait3A_472 = arith.constant 0 : i32
        %dma_wait3A_473 = arith.constant 4 : i32
        %dma_wait3A_474 = arith.constant 0 : i32
        %dma_wait3A_475 = tpu.memref_slice %arg7[%dma_wait3A_473, %dma_wait3A_474] : memref<5x64xi32, #tpu.memory_space<vmem>> -> memref<1x64xi32, #tpu.memory_space<vmem>>
        %dma_wait3A_476 = tpu.memref_squeeze %dma_wait3A_475 : memref<1x64xi32, #tpu.memory_space<vmem>> -> memref<64xi32, #tpu.memory_space<vmem>>
        %dma_wait3A_477 = arith.constant 0 : i32
        %dma_wait3A_478 = tpu.memref_slice %arg2[%dma_wait3A_471, %dma_wait3A_472, %dma_wait3A_477] : memref<2x5120x64xi32, #tpu.memory_space<hbm>> -> memref<1x1x64xi32, #tpu.memory_space<hbm>>
        %dma_wait3A_479 = tpu.memref_squeeze %dma_wait3A_478 : memref<1x1x64xi32, #tpu.memory_space<hbm>> -> memref<64xi32, #tpu.memory_space<hbm>>
        %dma_wait3A_480 = arith.constant 0 : i32
        %dma_wait3A_481 = tpu.memref_slice %arg7[%dma_wait3A_473, %dma_wait3A_480] : memref<5x64xi32, #tpu.memory_space<vmem>> -> memref<1x64xi32, #tpu.memory_space<vmem>>
        %dma_wait3A_482 = tpu.memref_squeeze %dma_wait3A_481 : memref<1x64xi32, #tpu.memory_space<vmem>> -> memref<64xi32, #tpu.memory_space<vmem>>
        %dma_wait3A_483 = arith.constant 0 : i32
        %dma_wait3A_484 = tpu.memref_slice %arg2[%dma_wait3A_471, %dma_wait3A_472, %dma_wait3A_483] : memref<2x5120x64xi32, #tpu.memory_space<hbm>> -> memref<1x1x64xi32, #tpu.memory_space<hbm>>
        %dma_wait3A_485 = tpu.memref_squeeze %dma_wait3A_484 : memref<1x1x64xi32, #tpu.memory_space<hbm>> -> memref<64xi32, #tpu.memory_space<hbm>>
        tpu.wait_dma2 semaphore(%arg14 : memref<!tpu.dma_semaphore, #tpu.memory_space<semaphore_mem>>) src(%dma_wait3A_485 : memref<64xi32, #tpu.memory_space<hbm>>) dst(%dma_wait3A_482 : memref<64xi32, #tpu.memory_space<vmem>>)
        %dma_wait3A_486 = arith.constant 1 : i32
        %dma_wait3A_487 = arith.constant 0 : i32
        %dma_wait3A_488 = arith.constant 4 : i32
        %dma_wait3A_489 = arith.constant 0 : i32
        %dma_wait3A_490 = tpu.memref_slice %arg8[%dma_wait3A_488, %dma_wait3A_489] : memref<5x64xi32, #tpu.memory_space<vmem>> -> memref<1x64xi32, #tpu.memory_space<vmem>>
        %dma_wait3A_491 = tpu.memref_squeeze %dma_wait3A_490 : memref<1x64xi32, #tpu.memory_space<vmem>> -> memref<64xi32, #tpu.memory_space<vmem>>
        %dma_wait3A_492 = arith.constant 0 : i32
        %dma_wait3A_493 = tpu.memref_slice %arg2[%dma_wait3A_486, %dma_wait3A_487, %dma_wait3A_492] : memref<2x5120x64xi32, #tpu.memory_space<hbm>> -> memref<1x1x64xi32, #tpu.memory_space<hbm>>
        %dma_wait3A_494 = tpu.memref_squeeze %dma_wait3A_493 : memref<1x1x64xi32, #tpu.memory_space<hbm>> -> memref<64xi32, #tpu.memory_space<hbm>>
        %dma_wait3A_495 = arith.constant 0 : i32
        %dma_wait3A_496 = tpu.memref_slice %arg8[%dma_wait3A_488, %dma_wait3A_495] : memref<5x64xi32, #tpu.memory_space<vmem>> -> memref<1x64xi32, #tpu.memory_space<vmem>>
        %dma_wait3A_497 = tpu.memref_squeeze %dma_wait3A_496 : memref<1x64xi32, #tpu.memory_space<vmem>> -> memref<64xi32, #tpu.memory_space<vmem>>
        %dma_wait3A_498 = arith.constant 0 : i32
        %dma_wait3A_499 = tpu.memref_slice %arg2[%dma_wait3A_486, %dma_wait3A_487, %dma_wait3A_498] : memref<2x5120x64xi32, #tpu.memory_space<hbm>> -> memref<1x1x64xi32, #tpu.memory_space<hbm>>
        %dma_wait3A_500 = tpu.memref_squeeze %dma_wait3A_499 : memref<1x1x64xi32, #tpu.memory_space<hbm>> -> memref<64xi32, #tpu.memory_space<hbm>>
        tpu.wait_dma2 semaphore(%arg14 : memref<!tpu.dma_semaphore, #tpu.memory_space<semaphore_mem>>) src(%dma_wait3A_500 : memref<64xi32, #tpu.memory_space<hbm>>) dst(%dma_wait3A_497 : memref<64xi32, #tpu.memory_space<vmem>>)
        %dma_start3A_501 = arith.constant 4 : i32
        %dma_start3A_502 = arith.constant 4 : i32
        %dma_start3A_503 = arith.constant 0 : i32
        %dma_start3A_504 = arith.constant 0 : i32
        %dma_start3A_505 = tpu.memref_slice %arg9[%dma_start3A_502, %dma_start3A_503, %dma_start3A_504] : memref<5x64x128xf32, #tpu.memory_space<vmem>> -> memref<1x64x128xf32, #tpu.memory_space<vmem>>
        %dma_start3A_506 = tpu.memref_squeeze %dma_start3A_505 : memref<1x64x128xf32, #tpu.memory_space<vmem>> -> memref<64x128xf32, #tpu.memory_space<vmem>>
        %dma_start3A_507 = arith.constant 0 : i32
        %dma_start3A_508 = tpu.memref_slice %arg7[%dma_start3A_501, %dma_start3A_507] : memref<5x64xi32, #tpu.memory_space<vmem>> -> memref<1x64xi32, #tpu.memory_space<vmem>>
        %dma_start3A_509 = tpu.memref_squeeze %dma_start3A_508 : memref<1x64xi32, #tpu.memory_space<vmem>> -> memref<64xi32, #tpu.memory_space<vmem>>
        %dma_start3A_510 = arith.constant 0 : i32
        %dma_start3A_511 = arith.constant 0 : i32
        %dma_start3A_512 = tpu.memref_slice %arg3[%dma_start3A_510, %dma_start3A_511] : memref<10000x128xf32, #tpu.memory_space<hbm>> -> memref<10000x128xf32, #tpu.memory_space<hbm>>
        tpu.enqueue_indirect_dma source(%dma_start3A_512 : memref<10000x128xf32, #tpu.memory_space<hbm>>) target(%dma_start3A_506 : memref<64x128xf32, #tpu.memory_space<vmem>>) offsets(%dma_start3A_509 : memref<64xi32, #tpu.memory_space<vmem>>) semaphore(%arg19 : memref<!tpu.dma_semaphore, #tpu.memory_space<semaphore_mem>>)
      } else {
      }
      %ge3A_254 = arith.constant 3 : i32
      %ge3A_255 = arith.cmpi sge, %add3A_212, %ge3A_254 : i32
      %convert_element_type3A_256 = arith.extui %ge3A_255 : i1 to i32
      %cond3A_257 = arith.constant 0 : i32
      %cond3A_258 = arith.cmpi ne, %convert_element_type3A_256, %cond3A_257 : i32
      scf.if %cond3A_258 {
        %dma_wait3A_471 = arith.constant 2 : i32
        %dma_wait3A_472 = arith.constant 0 : i32
        %dma_wait3A_473 = arith.constant 0 : i32
        %dma_wait3A_474 = tpu.memref_slice %arg9[%dma_wait3A_471, %dma_wait3A_472, %dma_wait3A_473] : memref<5x64x128xf32, #tpu.memory_space<vmem>> -> memref<1x64x128xf32, #tpu.memory_space<vmem>>
        %dma_wait3A_475 = tpu.memref_squeeze %dma_wait3A_474 : memref<1x64x128xf32, #tpu.memory_space<vmem>> -> memref<64x128xf32, #tpu.memory_space<vmem>>
        %dma_wait3A_476 = arith.constant 0 : i32
        %dma_wait3A_477 = arith.constant 0 : i32
        %dma_wait3A_478 = tpu.memref_slice %arg3[%dma_wait3A_476, %dma_wait3A_477] : memref<10000x128xf32, #tpu.memory_space<hbm>> -> memref<64x128xf32, #tpu.memory_space<hbm>>
        %dma_wait3A_479 = arith.constant 0 : i32
        %dma_wait3A_480 = arith.constant 0 : i32
        %dma_wait3A_481 = tpu.memref_slice %arg9[%dma_wait3A_471, %dma_wait3A_479, %dma_wait3A_480] : memref<5x64x128xf32, #tpu.memory_space<vmem>> -> memref<1x64x128xf32, #tpu.memory_space<vmem>>
        %dma_wait3A_482 = tpu.memref_squeeze %dma_wait3A_481 : memref<1x64x128xf32, #tpu.memory_space<vmem>> -> memref<64x128xf32, #tpu.memory_space<vmem>>
        %dma_wait3A_483 = arith.constant 0 : i32
        %dma_wait3A_484 = arith.constant 0 : i32
        %dma_wait3A_485 = tpu.memref_slice %arg3[%dma_wait3A_483, %dma_wait3A_484] : memref<10000x128xf32, #tpu.memory_space<hbm>> -> memref<64x128xf32, #tpu.memory_space<hbm>>
        tpu.wait_dma2 semaphore(%arg17 : memref<!tpu.dma_semaphore, #tpu.memory_space<semaphore_mem>>) src(%dma_wait3A_485 : memref<64x128xf32, #tpu.memory_space<hbm>>) dst(%dma_wait3A_482 : memref<64x128xf32, #tpu.memory_space<vmem>>)
        %dma_start3A_486 = arith.constant 2 : i32
        %dma_start3A_487 = arith.constant 2 : i32
        %dma_start3A_488 = arith.constant 0 : i32
        %dma_start3A_489 = arith.constant 0 : i32
        %dma_start3A_490 = tpu.memref_slice %arg9[%dma_start3A_486, %dma_start3A_488, %dma_start3A_489] : memref<5x64x128xf32, #tpu.memory_space<vmem>> -> memref<1x64x128xf32, #tpu.memory_space<vmem>>
        %dma_start3A_491 = tpu.memref_squeeze %dma_start3A_490 : memref<1x64x128xf32, #tpu.memory_space<vmem>> -> memref<64x128xf32, #tpu.memory_space<vmem>>
        %dma_start3A_492 = arith.constant 0 : i32
        %dma_start3A_493 = tpu.memref_slice %arg8[%dma_start3A_487, %dma_start3A_492] : memref<5x64xi32, #tpu.memory_space<vmem>> -> memref<1x64xi32, #tpu.memory_space<vmem>>
        %dma_start3A_494 = tpu.memref_squeeze %dma_start3A_493 : memref<1x64xi32, #tpu.memory_space<vmem>> -> memref<64xi32, #tpu.memory_space<vmem>>
        %dma_start3A_495 = arith.constant 0 : i32
        %dma_start3A_496 = arith.constant 0 : i32
        %dma_start3A_497 = tpu.memref_slice %arg6[%dma_start3A_495, %dma_start3A_496] : memref<10240x128xf32, #tpu.memory_space<vmem_shared>> -> memref<10240x128xf32, #tpu.memory_space<vmem_shared>>
        tpu.enqueue_indirect_dma source(%dma_start3A_491 : memref<64x128xf32, #tpu.memory_space<vmem>>) target(%dma_start3A_497 : memref<10240x128xf32, #tpu.memory_space<vmem_shared>>) offsets(%dma_start3A_494 : memref<64xi32, #tpu.memory_space<vmem>>) semaphore(%arg22 : memref<!tpu.dma_semaphore, #tpu.memory_space<semaphore_mem>>) {add = true}
      } else {
      }
      %mul3A_259 = arith.constant 5 : i32
      %mul3A_260 = arith.muli %mul3A_259, %scan3A_208 : i32
      %add3A_261 = arith.constant 1 : i32
      %add3A_262 = arith.addi %mul3A_260, %add3A_261 : i32
      %ge3A_263 = arith.constant 5 : i32
      %ge3A_264 = arith.cmpi sge, %add3A_262, %ge3A_263 : i32
      %convert_element_type3A_265 = arith.extui %ge3A_264 : i1 to i32
      %cond3A_266 = arith.constant 0 : i32
      %cond3A_267 = arith.cmpi ne, %convert_element_type3A_265, %cond3A_266 : i32
      scf.if %cond3A_267 {
        %dma_wait3A_471 = arith.constant 1 : i32
        %dma_wait3A_472 = arith.constant 0 : i32
        %dma_wait3A_473 = arith.constant 0 : i32
        %dma_wait3A_474 = tpu.memref_slice %arg9[%dma_wait3A_471, %dma_wait3A_472, %dma_wait3A_473] : memref<5x64x128xf32, #tpu.memory_space<vmem>> -> memref<1x64x128xf32, #tpu.memory_space<vmem>>
        %dma_wait3A_475 = tpu.memref_squeeze %dma_wait3A_474 : memref<1x64x128xf32, #tpu.memory_space<vmem>> -> memref<64x128xf32, #tpu.memory_space<vmem>>
        %dma_wait3A_476 = arith.constant 0 : i32
        %dma_wait3A_477 = arith.constant 0 : i32
        %dma_wait3A_478 = tpu.memref_slice %arg3[%dma_wait3A_476, %dma_wait3A_477] : memref<10000x128xf32, #tpu.memory_space<hbm>> -> memref<64x128xf32, #tpu.memory_space<hbm>>
        %dma_wait3A_479 = arith.constant 0 : i32
        %dma_wait3A_480 = arith.constant 0 : i32
        %dma_wait3A_481 = tpu.memref_slice %arg9[%dma_wait3A_471, %dma_wait3A_479, %dma_wait3A_480] : memref<5x64x128xf32, #tpu.memory_space<vmem>> -> memref<1x64x128xf32, #tpu.memory_space<vmem>>
        %dma_wait3A_482 = tpu.memref_squeeze %dma_wait3A_481 : memref<1x64x128xf32, #tpu.memory_space<vmem>> -> memref<64x128xf32, #tpu.memory_space<vmem>>
        %dma_wait3A_483 = arith.constant 0 : i32
        %dma_wait3A_484 = arith.constant 0 : i32
        %dma_wait3A_485 = tpu.memref_slice %arg3[%dma_wait3A_483, %dma_wait3A_484] : memref<10000x128xf32, #tpu.memory_space<hbm>> -> memref<64x128xf32, #tpu.memory_space<hbm>>
        tpu.wait_dma2 semaphore(%arg21 : memref<!tpu.dma_semaphore, #tpu.memory_space<semaphore_mem>>) src(%dma_wait3A_485 : memref<64x128xf32, #tpu.memory_space<hbm>>) dst(%dma_wait3A_482 : memref<64x128xf32, #tpu.memory_space<vmem>>)
      } else {
      }
      %mul3A_268 = arith.constant 160 : i32
      %mul3A_269 = arith.muli %add3A, %mul3A_268 : i32
      %add3A_270 = arith.addi %mul3A_269, %add3A_262 : i32
      %dma_start3A_271 = arith.constant 0 : i32
      %dma_start3A_272 = arith.constant 1 : i32
      %dma_start3A_273 = arith.constant 0 : i32
      %dma_start3A_274 = tpu.memref_slice %arg7[%dma_start3A_272, %dma_start3A_273] : memref<5x64xi32, #tpu.memory_space<vmem>> -> memref<1x64xi32, #tpu.memory_space<vmem>>
      %dma_start3A_275 = tpu.memref_squeeze %dma_start3A_274 : memref<1x64xi32, #tpu.memory_space<vmem>> -> memref<64xi32, #tpu.memory_space<vmem>>
      %dma_start3A_276 = arith.constant 0 : i32
      %dma_start3A_277 = tpu.memref_slice %arg2[%dma_start3A_271, %add3A_270, %dma_start3A_276] : memref<2x5120x64xi32, #tpu.memory_space<hbm>> -> memref<1x1x64xi32, #tpu.memory_space<hbm>>
      %dma_start3A_278 = tpu.memref_squeeze %dma_start3A_277 : memref<1x1x64xi32, #tpu.memory_space<hbm>> -> memref<64xi32, #tpu.memory_space<hbm>>
      %dma_start3A_279 = arith.constant 0 : i32
      %dma_start3A_280 = tpu.memref_slice %arg7[%dma_start3A_272, %dma_start3A_279] : memref<5x64xi32, #tpu.memory_space<vmem>> -> memref<1x64xi32, #tpu.memory_space<vmem>>
      %dma_start3A_281 = tpu.memref_squeeze %dma_start3A_280 : memref<1x64xi32, #tpu.memory_space<vmem>> -> memref<64xi32, #tpu.memory_space<vmem>>
      %dma_start3A_282 = arith.constant 0 : i32
      %dma_start3A_283 = tpu.memref_slice %arg2[%dma_start3A_271, %add3A_270, %dma_start3A_282] : memref<2x5120x64xi32, #tpu.memory_space<hbm>> -> memref<1x1x64xi32, #tpu.memory_space<hbm>>
      %dma_start3A_284 = tpu.memref_squeeze %dma_start3A_283 : memref<1x1x64xi32, #tpu.memory_space<hbm>> -> memref<64xi32, #tpu.memory_space<hbm>>
      tpu.enqueue_dma source(%dma_start3A_284 : memref<64xi32, #tpu.memory_space<hbm>>) target(%dma_start3A_281 : memref<64xi32, #tpu.memory_space<vmem>>) target_semaphore(%arg11 : memref<!tpu.dma_semaphore, #tpu.memory_space<semaphore_mem>>)
      %mul3A_285 = arith.constant 160 : i32
      %mul3A_286 = arith.muli %add3A, %mul3A_285 : i32
      %add3A_287 = arith.addi %mul3A_286, %add3A_262 : i32
      %dma_start3A_288 = arith.constant 1 : i32
      %dma_start3A_289 = arith.constant 1 : i32
      %dma_start3A_290 = arith.constant 0 : i32
      %dma_start3A_291 = tpu.memref_slice %arg8[%dma_start3A_289, %dma_start3A_290] : memref<5x64xi32, #tpu.memory_space<vmem>> -> memref<1x64xi32, #tpu.memory_space<vmem>>
      %dma_start3A_292 = tpu.memref_squeeze %dma_start3A_291 : memref<1x64xi32, #tpu.memory_space<vmem>> -> memref<64xi32, #tpu.memory_space<vmem>>
      %dma_start3A_293 = arith.constant 0 : i32
      %dma_start3A_294 = tpu.memref_slice %arg2[%dma_start3A_288, %add3A_287, %dma_start3A_293] : memref<2x5120x64xi32, #tpu.memory_space<hbm>> -> memref<1x1x64xi32, #tpu.memory_space<hbm>>
      %dma_start3A_295 = tpu.memref_squeeze %dma_start3A_294 : memref<1x1x64xi32, #tpu.memory_space<hbm>> -> memref<64xi32, #tpu.memory_space<hbm>>
      %dma_start3A_296 = arith.constant 0 : i32
      %dma_start3A_297 = tpu.memref_slice %arg8[%dma_start3A_289, %dma_start3A_296] : memref<5x64xi32, #tpu.memory_space<vmem>> -> memref<1x64xi32, #tpu.memory_space<vmem>>
      %dma_start3A_298 = tpu.memref_squeeze %dma_start3A_297 : memref<1x64xi32, #tpu.memory_space<vmem>> -> memref<64xi32, #tpu.memory_space<vmem>>
      %dma_start3A_299 = arith.constant 0 : i32
      %dma_start3A_300 = tpu.memref_slice %arg2[%dma_start3A_288, %add3A_287, %dma_start3A_299] : memref<2x5120x64xi32, #tpu.memory_space<hbm>> -> memref<1x1x64xi32, #tpu.memory_space<hbm>>
      %dma_start3A_301 = tpu.memref_squeeze %dma_start3A_300 : memref<1x1x64xi32, #tpu.memory_space<hbm>> -> memref<64xi32, #tpu.memory_space<hbm>>
      tpu.enqueue_dma source(%dma_start3A_301 : memref<64xi32, #tpu.memory_space<hbm>>) target(%dma_start3A_298 : memref<64xi32, #tpu.memory_space<vmem>>) target_semaphore(%arg11 : memref<!tpu.dma_semaphore, #tpu.memory_space<semaphore_mem>>)
      %ge3A_302 = arith.constant 1 : i32
      %ge3A_303 = arith.cmpi sge, %add3A_262, %ge3A_302 : i32
      %convert_element_type3A_304 = arith.extui %ge3A_303 : i1 to i32
      %cond3A_305 = arith.constant 0 : i32
      %cond3A_306 = arith.cmpi ne, %convert_element_type3A_304, %cond3A_305 : i32
      scf.if %cond3A_306 {
        %dma_wait3A_471 = arith.constant 0 : i32
        %dma_wait3A_472 = arith.constant 0 : i32
        %dma_wait3A_473 = arith.constant 0 : i32
        %dma_wait3A_474 = arith.constant 0 : i32
        %dma_wait3A_475 = tpu.memref_slice %arg7[%dma_wait3A_473, %dma_wait3A_474] : memref<5x64xi32, #tpu.memory_space<vmem>> -> memref<1x64xi32, #tpu.memory_space<vmem>>
        %dma_wait3A_476 = tpu.memref_squeeze %dma_wait3A_475 : memref<1x64xi32, #tpu.memory_space<vmem>> -> memref<64xi32, #tpu.memory_space<vmem>>
        %dma_wait3A_477 = arith.constant 0 : i32
        %dma_wait3A_478 = tpu.memref_slice %arg2[%dma_wait3A_471, %dma_wait3A_472, %dma_wait3A_477] : memref<2x5120x64xi32, #tpu.memory_space<hbm>> -> memref<1x1x64xi32, #tpu.memory_space<hbm>>
        %dma_wait3A_479 = tpu.memref_squeeze %dma_wait3A_478 : memref<1x1x64xi32, #tpu.memory_space<hbm>> -> memref<64xi32, #tpu.memory_space<hbm>>
        %dma_wait3A_480 = arith.constant 0 : i32
        %dma_wait3A_481 = tpu.memref_slice %arg7[%dma_wait3A_473, %dma_wait3A_480] : memref<5x64xi32, #tpu.memory_space<vmem>> -> memref<1x64xi32, #tpu.memory_space<vmem>>
        %dma_wait3A_482 = tpu.memref_squeeze %dma_wait3A_481 : memref<1x64xi32, #tpu.memory_space<vmem>> -> memref<64xi32, #tpu.memory_space<vmem>>
        %dma_wait3A_483 = arith.constant 0 : i32
        %dma_wait3A_484 = tpu.memref_slice %arg2[%dma_wait3A_471, %dma_wait3A_472, %dma_wait3A_483] : memref<2x5120x64xi32, #tpu.memory_space<hbm>> -> memref<1x1x64xi32, #tpu.memory_space<hbm>>
        %dma_wait3A_485 = tpu.memref_squeeze %dma_wait3A_484 : memref<1x1x64xi32, #tpu.memory_space<hbm>> -> memref<64xi32, #tpu.memory_space<hbm>>
        tpu.wait_dma2 semaphore(%arg10 : memref<!tpu.dma_semaphore, #tpu.memory_space<semaphore_mem>>) src(%dma_wait3A_485 : memref<64xi32, #tpu.memory_space<hbm>>) dst(%dma_wait3A_482 : memref<64xi32, #tpu.memory_space<vmem>>)
        %dma_wait3A_486 = arith.constant 1 : i32
        %dma_wait3A_487 = arith.constant 0 : i32
        %dma_wait3A_488 = arith.constant 0 : i32
        %dma_wait3A_489 = arith.constant 0 : i32
        %dma_wait3A_490 = tpu.memref_slice %arg8[%dma_wait3A_488, %dma_wait3A_489] : memref<5x64xi32, #tpu.memory_space<vmem>> -> memref<1x64xi32, #tpu.memory_space<vmem>>
        %dma_wait3A_491 = tpu.memref_squeeze %dma_wait3A_490 : memref<1x64xi32, #tpu.memory_space<vmem>> -> memref<64xi32, #tpu.memory_space<vmem>>
        %dma_wait3A_492 = arith.constant 0 : i32
        %dma_wait3A_493 = tpu.memref_slice %arg2[%dma_wait3A_486, %dma_wait3A_487, %dma_wait3A_492] : memref<2x5120x64xi32, #tpu.memory_space<hbm>> -> memref<1x1x64xi32, #tpu.memory_space<hbm>>
        %dma_wait3A_494 = tpu.memref_squeeze %dma_wait3A_493 : memref<1x1x64xi32, #tpu.memory_space<hbm>> -> memref<64xi32, #tpu.memory_space<hbm>>
        %dma_wait3A_495 = arith.constant 0 : i32
        %dma_wait3A_496 = tpu.memref_slice %arg8[%dma_wait3A_488, %dma_wait3A_495] : memref<5x64xi32, #tpu.memory_space<vmem>> -> memref<1x64xi32, #tpu.memory_space<vmem>>
        %dma_wait3A_497 = tpu.memref_squeeze %dma_wait3A_496 : memref<1x64xi32, #tpu.memory_space<vmem>> -> memref<64xi32, #tpu.memory_space<vmem>>
        %dma_wait3A_498 = arith.constant 0 : i32
        %dma_wait3A_499 = tpu.memref_slice %arg2[%dma_wait3A_486, %dma_wait3A_487, %dma_wait3A_498] : memref<2x5120x64xi32, #tpu.memory_space<hbm>> -> memref<1x1x64xi32, #tpu.memory_space<hbm>>
        %dma_wait3A_500 = tpu.memref_squeeze %dma_wait3A_499 : memref<1x1x64xi32, #tpu.memory_space<hbm>> -> memref<64xi32, #tpu.memory_space<hbm>>
        tpu.wait_dma2 semaphore(%arg10 : memref<!tpu.dma_semaphore, #tpu.memory_space<semaphore_mem>>) src(%dma_wait3A_500 : memref<64xi32, #tpu.memory_space<hbm>>) dst(%dma_wait3A_497 : memref<64xi32, #tpu.memory_space<vmem>>)
        %dma_start3A_501 = arith.constant 0 : i32
        %dma_start3A_502 = arith.constant 0 : i32
        %dma_start3A_503 = arith.constant 0 : i32
        %dma_start3A_504 = arith.constant 0 : i32
        %dma_start3A_505 = tpu.memref_slice %arg9[%dma_start3A_502, %dma_start3A_503, %dma_start3A_504] : memref<5x64x128xf32, #tpu.memory_space<vmem>> -> memref<1x64x128xf32, #tpu.memory_space<vmem>>
        %dma_start3A_506 = tpu.memref_squeeze %dma_start3A_505 : memref<1x64x128xf32, #tpu.memory_space<vmem>> -> memref<64x128xf32, #tpu.memory_space<vmem>>
        %dma_start3A_507 = arith.constant 0 : i32
        %dma_start3A_508 = tpu.memref_slice %arg7[%dma_start3A_501, %dma_start3A_507] : memref<5x64xi32, #tpu.memory_space<vmem>> -> memref<1x64xi32, #tpu.memory_space<vmem>>
        %dma_start3A_509 = tpu.memref_squeeze %dma_start3A_508 : memref<1x64xi32, #tpu.memory_space<vmem>> -> memref<64xi32, #tpu.memory_space<vmem>>
        %dma_start3A_510 = arith.constant 0 : i32
        %dma_start3A_511 = arith.constant 0 : i32
        %dma_start3A_512 = tpu.memref_slice %arg3[%dma_start3A_510, %dma_start3A_511] : memref<10000x128xf32, #tpu.memory_space<hbm>> -> memref<10000x128xf32, #tpu.memory_space<hbm>>
        tpu.enqueue_indirect_dma source(%dma_start3A_512 : memref<10000x128xf32, #tpu.memory_space<hbm>>) target(%dma_start3A_506 : memref<64x128xf32, #tpu.memory_space<vmem>>) offsets(%dma_start3A_509 : memref<64xi32, #tpu.memory_space<vmem>>) semaphore(%arg15 : memref<!tpu.dma_semaphore, #tpu.memory_space<semaphore_mem>>)
      } else {
      }
      %ge3A_307 = arith.constant 3 : i32
      %ge3A_308 = arith.cmpi sge, %add3A_262, %ge3A_307 : i32
      %convert_element_type3A_309 = arith.extui %ge3A_308 : i1 to i32
      %cond3A_310 = arith.constant 0 : i32
      %cond3A_311 = arith.cmpi ne, %convert_element_type3A_309, %cond3A_310 : i32
      scf.if %cond3A_311 {
        %dma_wait3A_471 = arith.constant 3 : i32
        %dma_wait3A_472 = arith.constant 0 : i32
        %dma_wait3A_473 = arith.constant 0 : i32
        %dma_wait3A_474 = tpu.memref_slice %arg9[%dma_wait3A_471, %dma_wait3A_472, %dma_wait3A_473] : memref<5x64x128xf32, #tpu.memory_space<vmem>> -> memref<1x64x128xf32, #tpu.memory_space<vmem>>
        %dma_wait3A_475 = tpu.memref_squeeze %dma_wait3A_474 : memref<1x64x128xf32, #tpu.memory_space<vmem>> -> memref<64x128xf32, #tpu.memory_space<vmem>>
        %dma_wait3A_476 = arith.constant 0 : i32
        %dma_wait3A_477 = arith.constant 0 : i32
        %dma_wait3A_478 = tpu.memref_slice %arg3[%dma_wait3A_476, %dma_wait3A_477] : memref<10000x128xf32, #tpu.memory_space<hbm>> -> memref<64x128xf32, #tpu.memory_space<hbm>>
        %dma_wait3A_479 = arith.constant 0 : i32
        %dma_wait3A_480 = arith.constant 0 : i32
        %dma_wait3A_481 = tpu.memref_slice %arg9[%dma_wait3A_471, %dma_wait3A_479, %dma_wait3A_480] : memref<5x64x128xf32, #tpu.memory_space<vmem>> -> memref<1x64x128xf32, #tpu.memory_space<vmem>>
        %dma_wait3A_482 = tpu.memref_squeeze %dma_wait3A_481 : memref<1x64x128xf32, #tpu.memory_space<vmem>> -> memref<64x128xf32, #tpu.memory_space<vmem>>
        %dma_wait3A_483 = arith.constant 0 : i32
        %dma_wait3A_484 = arith.constant 0 : i32
        %dma_wait3A_485 = tpu.memref_slice %arg3[%dma_wait3A_483, %dma_wait3A_484] : memref<10000x128xf32, #tpu.memory_space<hbm>> -> memref<64x128xf32, #tpu.memory_space<hbm>>
        tpu.wait_dma2 semaphore(%arg18 : memref<!tpu.dma_semaphore, #tpu.memory_space<semaphore_mem>>) src(%dma_wait3A_485 : memref<64x128xf32, #tpu.memory_space<hbm>>) dst(%dma_wait3A_482 : memref<64x128xf32, #tpu.memory_space<vmem>>)
        %dma_start3A_486 = arith.constant 3 : i32
        %dma_start3A_487 = arith.constant 3 : i32
        %dma_start3A_488 = arith.constant 0 : i32
        %dma_start3A_489 = arith.constant 0 : i32
        %dma_start3A_490 = tpu.memref_slice %arg9[%dma_start3A_486, %dma_start3A_488, %dma_start3A_489] : memref<5x64x128xf32, #tpu.memory_space<vmem>> -> memref<1x64x128xf32, #tpu.memory_space<vmem>>
        %dma_start3A_491 = tpu.memref_squeeze %dma_start3A_490 : memref<1x64x128xf32, #tpu.memory_space<vmem>> -> memref<64x128xf32, #tpu.memory_space<vmem>>
        %dma_start3A_492 = arith.constant 0 : i32
        %dma_start3A_493 = tpu.memref_slice %arg8[%dma_start3A_487, %dma_start3A_492] : memref<5x64xi32, #tpu.memory_space<vmem>> -> memref<1x64xi32, #tpu.memory_space<vmem>>
        %dma_start3A_494 = tpu.memref_squeeze %dma_start3A_493 : memref<1x64xi32, #tpu.memory_space<vmem>> -> memref<64xi32, #tpu.memory_space<vmem>>
        %dma_start3A_495 = arith.constant 0 : i32
        %dma_start3A_496 = arith.constant 0 : i32
        %dma_start3A_497 = tpu.memref_slice %arg6[%dma_start3A_495, %dma_start3A_496] : memref<10240x128xf32, #tpu.memory_space<vmem_shared>> -> memref<10240x128xf32, #tpu.memory_space<vmem_shared>>
        tpu.enqueue_indirect_dma source(%dma_start3A_491 : memref<64x128xf32, #tpu.memory_space<vmem>>) target(%dma_start3A_497 : memref<10240x128xf32, #tpu.memory_space<vmem_shared>>) offsets(%dma_start3A_494 : memref<64xi32, #tpu.memory_space<vmem>>) semaphore(%arg23 : memref<!tpu.dma_semaphore, #tpu.memory_space<semaphore_mem>>) {add = true}
      } else {
      }
      %mul3A_312 = arith.constant 5 : i32
      %mul3A_313 = arith.muli %mul3A_312, %scan3A_208 : i32
      %add3A_314 = arith.constant 2 : i32
      %add3A_315 = arith.addi %mul3A_313, %add3A_314 : i32
      %ge3A_316 = arith.constant 5 : i32
      %ge3A_317 = arith.cmpi sge, %add3A_315, %ge3A_316 : i32
      %convert_element_type3A_318 = arith.extui %ge3A_317 : i1 to i32
      %cond3A_319 = arith.constant 0 : i32
      %cond3A_320 = arith.cmpi ne, %convert_element_type3A_318, %cond3A_319 : i32
      scf.if %cond3A_320 {
        %dma_wait3A_471 = arith.constant 2 : i32
        %dma_wait3A_472 = arith.constant 0 : i32
        %dma_wait3A_473 = arith.constant 0 : i32
        %dma_wait3A_474 = tpu.memref_slice %arg9[%dma_wait3A_471, %dma_wait3A_472, %dma_wait3A_473] : memref<5x64x128xf32, #tpu.memory_space<vmem>> -> memref<1x64x128xf32, #tpu.memory_space<vmem>>
        %dma_wait3A_475 = tpu.memref_squeeze %dma_wait3A_474 : memref<1x64x128xf32, #tpu.memory_space<vmem>> -> memref<64x128xf32, #tpu.memory_space<vmem>>
        %dma_wait3A_476 = arith.constant 0 : i32
        %dma_wait3A_477 = arith.constant 0 : i32
        %dma_wait3A_478 = tpu.memref_slice %arg3[%dma_wait3A_476, %dma_wait3A_477] : memref<10000x128xf32, #tpu.memory_space<hbm>> -> memref<64x128xf32, #tpu.memory_space<hbm>>
        %dma_wait3A_479 = arith.constant 0 : i32
        %dma_wait3A_480 = arith.constant 0 : i32
        %dma_wait3A_481 = tpu.memref_slice %arg9[%dma_wait3A_471, %dma_wait3A_479, %dma_wait3A_480] : memref<5x64x128xf32, #tpu.memory_space<vmem>> -> memref<1x64x128xf32, #tpu.memory_space<vmem>>
        %dma_wait3A_482 = tpu.memref_squeeze %dma_wait3A_481 : memref<1x64x128xf32, #tpu.memory_space<vmem>> -> memref<64x128xf32, #tpu.memory_space<vmem>>
        %dma_wait3A_483 = arith.constant 0 : i32
        %dma_wait3A_484 = arith.constant 0 : i32
        %dma_wait3A_485 = tpu.memref_slice %arg3[%dma_wait3A_483, %dma_wait3A_484] : memref<10000x128xf32, #tpu.memory_space<hbm>> -> memref<64x128xf32, #tpu.memory_space<hbm>>
        tpu.wait_dma2 semaphore(%arg22 : memref<!tpu.dma_semaphore, #tpu.memory_space<semaphore_mem>>) src(%dma_wait3A_485 : memref<64x128xf32, #tpu.memory_space<hbm>>) dst(%dma_wait3A_482 : memref<64x128xf32, #tpu.memory_space<vmem>>)
      } else {
      }
      %mul3A_321 = arith.constant 160 : i32
      %mul3A_322 = arith.muli %add3A, %mul3A_321 : i32
      %add3A_323 = arith.addi %mul3A_322, %add3A_315 : i32
      %dma_start3A_324 = arith.constant 0 : i32
      %dma_start3A_325 = arith.constant 2 : i32
      %dma_start3A_326 = arith.constant 0 : i32
      %dma_start3A_327 = tpu.memref_slice %arg7[%dma_start3A_325, %dma_start3A_326] : memref<5x64xi32, #tpu.memory_space<vmem>> -> memref<1x64xi32, #tpu.memory_space<vmem>>
      %dma_start3A_328 = tpu.memref_squeeze %dma_start3A_327 : memref<1x64xi32, #tpu.memory_space<vmem>> -> memref<64xi32, #tpu.memory_space<vmem>>
      %dma_start3A_329 = arith.constant 0 : i32
      %dma_start3A_330 = tpu.memref_slice %arg2[%dma_start3A_324, %add3A_323, %dma_start3A_329] : memref<2x5120x64xi32, #tpu.memory_space<hbm>> -> memref<1x1x64xi32, #tpu.memory_space<hbm>>
      %dma_start3A_331 = tpu.memref_squeeze %dma_start3A_330 : memref<1x1x64xi32, #tpu.memory_space<hbm>> -> memref<64xi32, #tpu.memory_space<hbm>>
      %dma_start3A_332 = arith.constant 0 : i32
      %dma_start3A_333 = tpu.memref_slice %arg7[%dma_start3A_325, %dma_start3A_332] : memref<5x64xi32, #tpu.memory_space<vmem>> -> memref<1x64xi32, #tpu.memory_space<vmem>>
      %dma_start3A_334 = tpu.memref_squeeze %dma_start3A_333 : memref<1x64xi32, #tpu.memory_space<vmem>> -> memref<64xi32, #tpu.memory_space<vmem>>
      %dma_start3A_335 = arith.constant 0 : i32
      %dma_start3A_336 = tpu.memref_slice %arg2[%dma_start3A_324, %add3A_323, %dma_start3A_335] : memref<2x5120x64xi32, #tpu.memory_space<hbm>> -> memref<1x1x64xi32, #tpu.memory_space<hbm>>
      %dma_start3A_337 = tpu.memref_squeeze %dma_start3A_336 : memref<1x1x64xi32, #tpu.memory_space<hbm>> -> memref<64xi32, #tpu.memory_space<hbm>>
      tpu.enqueue_dma source(%dma_start3A_337 : memref<64xi32, #tpu.memory_space<hbm>>) target(%dma_start3A_334 : memref<64xi32, #tpu.memory_space<vmem>>) target_semaphore(%arg12 : memref<!tpu.dma_semaphore, #tpu.memory_space<semaphore_mem>>)
      %mul3A_338 = arith.constant 160 : i32
      %mul3A_339 = arith.muli %add3A, %mul3A_338 : i32
      %add3A_340 = arith.addi %mul3A_339, %add3A_315 : i32
      %dma_start3A_341 = arith.constant 1 : i32
      %dma_start3A_342 = arith.constant 2 : i32
      %dma_start3A_343 = arith.constant 0 : i32
      %dma_start3A_344 = tpu.memref_slice %arg8[%dma_start3A_342, %dma_start3A_343] : memref<5x64xi32, #tpu.memory_space<vmem>> -> memref<1x64xi32, #tpu.memory_space<vmem>>
      %dma_start3A_345 = tpu.memref_squeeze %dma_start3A_344 : memref<1x64xi32, #tpu.memory_space<vmem>> -> memref<64xi32, #tpu.memory_space<vmem>>
      %dma_start3A_346 = arith.constant 0 : i32
      %dma_start3A_347 = tpu.memref_slice %arg2[%dma_start3A_341, %add3A_340, %dma_start3A_346] : memref<2x5120x64xi32, #tpu.memory_space<hbm>> -> memref<1x1x64xi32, #tpu.memory_space<hbm>>
      %dma_start3A_348 = tpu.memref_squeeze %dma_start3A_347 : memref<1x1x64xi32, #tpu.memory_space<hbm>> -> memref<64xi32, #tpu.memory_space<hbm>>
      %dma_start3A_349 = arith.constant 0 : i32
      %dma_start3A_350 = tpu.memref_slice %arg8[%dma_start3A_342, %dma_start3A_349] : memref<5x64xi32, #tpu.memory_space<vmem>> -> memref<1x64xi32, #tpu.memory_space<vmem>>
      %dma_start3A_351 = tpu.memref_squeeze %dma_start3A_350 : memref<1x64xi32, #tpu.memory_space<vmem>> -> memref<64xi32, #tpu.memory_space<vmem>>
      %dma_start3A_352 = arith.constant 0 : i32
      %dma_start3A_353 = tpu.memref_slice %arg2[%dma_start3A_341, %add3A_340, %dma_start3A_352] : memref<2x5120x64xi32, #tpu.memory_space<hbm>> -> memref<1x1x64xi32, #tpu.memory_space<hbm>>
      %dma_start3A_354 = tpu.memref_squeeze %dma_start3A_353 : memref<1x1x64xi32, #tpu.memory_space<hbm>> -> memref<64xi32, #tpu.memory_space<hbm>>
      tpu.enqueue_dma source(%dma_start3A_354 : memref<64xi32, #tpu.memory_space<hbm>>) target(%dma_start3A_351 : memref<64xi32, #tpu.memory_space<vmem>>) target_semaphore(%arg12 : memref<!tpu.dma_semaphore, #tpu.memory_space<semaphore_mem>>)
      %ge3A_355 = arith.constant 1 : i32
      %ge3A_356 = arith.cmpi sge, %add3A_315, %ge3A_355 : i32
      %convert_element_type3A_357 = arith.extui %ge3A_356 : i1 to i32
      %cond3A_358 = arith.constant 0 : i32
      %cond3A_359 = arith.cmpi ne, %convert_element_type3A_357, %cond3A_358 : i32
      scf.if %cond3A_359 {
        %dma_wait3A_471 = arith.constant 0 : i32
        %dma_wait3A_472 = arith.constant 0 : i32
        %dma_wait3A_473 = arith.constant 1 : i32
        %dma_wait3A_474 = arith.constant 0 : i32
        %dma_wait3A_475 = tpu.memref_slice %arg7[%dma_wait3A_473, %dma_wait3A_474] : memref<5x64xi32, #tpu.memory_space<vmem>> -> memref<1x64xi32, #tpu.memory_space<vmem>>
        %dma_wait3A_476 = tpu.memref_squeeze %dma_wait3A_475 : memref<1x64xi32, #tpu.memory_space<vmem>> -> memref<64xi32, #tpu.memory_space<vmem>>
        %dma_wait3A_477 = arith.constant 0 : i32
        %dma_wait3A_478 = tpu.memref_slice %arg2[%dma_wait3A_471, %dma_wait3A_472, %dma_wait3A_477] : memref<2x5120x64xi32, #tpu.memory_space<hbm>> -> memref<1x1x64xi32, #tpu.memory_space<hbm>>
        %dma_wait3A_479 = tpu.memref_squeeze %dma_wait3A_478 : memref<1x1x64xi32, #tpu.memory_space<hbm>> -> memref<64xi32, #tpu.memory_space<hbm>>
        %dma_wait3A_480 = arith.constant 0 : i32
        %dma_wait3A_481 = tpu.memref_slice %arg7[%dma_wait3A_473, %dma_wait3A_480] : memref<5x64xi32, #tpu.memory_space<vmem>> -> memref<1x64xi32, #tpu.memory_space<vmem>>
        %dma_wait3A_482 = tpu.memref_squeeze %dma_wait3A_481 : memref<1x64xi32, #tpu.memory_space<vmem>> -> memref<64xi32, #tpu.memory_space<vmem>>
        %dma_wait3A_483 = arith.constant 0 : i32
        %dma_wait3A_484 = tpu.memref_slice %arg2[%dma_wait3A_471, %dma_wait3A_472, %dma_wait3A_483] : memref<2x5120x64xi32, #tpu.memory_space<hbm>> -> memref<1x1x64xi32, #tpu.memory_space<hbm>>
        %dma_wait3A_485 = tpu.memref_squeeze %dma_wait3A_484 : memref<1x1x64xi32, #tpu.memory_space<hbm>> -> memref<64xi32, #tpu.memory_space<hbm>>
        tpu.wait_dma2 semaphore(%arg11 : memref<!tpu.dma_semaphore, #tpu.memory_space<semaphore_mem>>) src(%dma_wait3A_485 : memref<64xi32, #tpu.memory_space<hbm>>) dst(%dma_wait3A_482 : memref<64xi32, #tpu.memory_space<vmem>>)
        %dma_wait3A_486 = arith.constant 1 : i32
        %dma_wait3A_487 = arith.constant 0 : i32
        %dma_wait3A_488 = arith.constant 1 : i32
        %dma_wait3A_489 = arith.constant 0 : i32
        %dma_wait3A_490 = tpu.memref_slice %arg8[%dma_wait3A_488, %dma_wait3A_489] : memref<5x64xi32, #tpu.memory_space<vmem>> -> memref<1x64xi32, #tpu.memory_space<vmem>>
        %dma_wait3A_491 = tpu.memref_squeeze %dma_wait3A_490 : memref<1x64xi32, #tpu.memory_space<vmem>> -> memref<64xi32, #tpu.memory_space<vmem>>
        %dma_wait3A_492 = arith.constant 0 : i32
        %dma_wait3A_493 = tpu.memref_slice %arg2[%dma_wait3A_486, %dma_wait3A_487, %dma_wait3A_492] : memref<2x5120x64xi32, #tpu.memory_space<hbm>> -> memref<1x1x64xi32, #tpu.memory_space<hbm>>
        %dma_wait3A_494 = tpu.memref_squeeze %dma_wait3A_493 : memref<1x1x64xi32, #tpu.memory_space<hbm>> -> memref<64xi32, #tpu.memory_space<hbm>>
        %dma_wait3A_495 = arith.constant 0 : i32
        %dma_wait3A_496 = tpu.memref_slice %arg8[%dma_wait3A_488, %dma_wait3A_495] : memref<5x64xi32, #tpu.memory_space<vmem>> -> memref<1x64xi32, #tpu.memory_space<vmem>>
        %dma_wait3A_497 = tpu.memref_squeeze %dma_wait3A_496 : memref<1x64xi32, #tpu.memory_space<vmem>> -> memref<64xi32, #tpu.memory_space<vmem>>
        %dma_wait3A_498 = arith.constant 0 : i32
        %dma_wait3A_499 = tpu.memref_slice %arg2[%dma_wait3A_486, %dma_wait3A_487, %dma_wait3A_498] : memref<2x5120x64xi32, #tpu.memory_space<hbm>> -> memref<1x1x64xi32, #tpu.memory_space<hbm>>
        %dma_wait3A_500 = tpu.memref_squeeze %dma_wait3A_499 : memref<1x1x64xi32, #tpu.memory_space<hbm>> -> memref<64xi32, #tpu.memory_space<hbm>>
        tpu.wait_dma2 semaphore(%arg11 : memref<!tpu.dma_semaphore, #tpu.memory_space<semaphore_mem>>) src(%dma_wait3A_500 : memref<64xi32, #tpu.memory_space<hbm>>) dst(%dma_wait3A_497 : memref<64xi32, #tpu.memory_space<vmem>>)
        %dma_start3A_501 = arith.constant 1 : i32
        %dma_start3A_502 = arith.constant 1 : i32
        %dma_start3A_503 = arith.constant 0 : i32
        %dma_start3A_504 = arith.constant 0 : i32
        %dma_start3A_505 = tpu.memref_slice %arg9[%dma_start3A_502, %dma_start3A_503, %dma_start3A_504] : memref<5x64x128xf32, #tpu.memory_space<vmem>> -> memref<1x64x128xf32, #tpu.memory_space<vmem>>
        %dma_start3A_506 = tpu.memref_squeeze %dma_start3A_505 : memref<1x64x128xf32, #tpu.memory_space<vmem>> -> memref<64x128xf32, #tpu.memory_space<vmem>>
        %dma_start3A_507 = arith.constant 0 : i32
        %dma_start3A_508 = tpu.memref_slice %arg7[%dma_start3A_501, %dma_start3A_507] : memref<5x64xi32, #tpu.memory_space<vmem>> -> memref<1x64xi32, #tpu.memory_space<vmem>>
        %dma_start3A_509 = tpu.memref_squeeze %dma_start3A_508 : memref<1x64xi32, #tpu.memory_space<vmem>> -> memref<64xi32, #tpu.memory_space<vmem>>
        %dma_start3A_510 = arith.constant 0 : i32
        %dma_start3A_511 = arith.constant 0 : i32
        %dma_start3A_512 = tpu.memref_slice %arg3[%dma_start3A_510, %dma_start3A_511] : memref<10000x128xf32, #tpu.memory_space<hbm>> -> memref<10000x128xf32, #tpu.memory_space<hbm>>
        tpu.enqueue_indirect_dma source(%dma_start3A_512 : memref<10000x128xf32, #tpu.memory_space<hbm>>) target(%dma_start3A_506 : memref<64x128xf32, #tpu.memory_space<vmem>>) offsets(%dma_start3A_509 : memref<64xi32, #tpu.memory_space<vmem>>) semaphore(%arg16 : memref<!tpu.dma_semaphore, #tpu.memory_space<semaphore_mem>>)
      } else {
      }
      %ge3A_360 = arith.constant 3 : i32
      %ge3A_361 = arith.cmpi sge, %add3A_315, %ge3A_360 : i32
      %convert_element_type3A_362 = arith.extui %ge3A_361 : i1 to i32
      %cond3A_363 = arith.constant 0 : i32
      %cond3A_364 = arith.cmpi ne, %convert_element_type3A_362, %cond3A_363 : i32
      scf.if %cond3A_364 {
        %dma_wait3A_471 = arith.constant 4 : i32
        %dma_wait3A_472 = arith.constant 0 : i32
        %dma_wait3A_473 = arith.constant 0 : i32
        %dma_wait3A_474 = tpu.memref_slice %arg9[%dma_wait3A_471, %dma_wait3A_472, %dma_wait3A_473] : memref<5x64x128xf32, #tpu.memory_space<vmem>> -> memref<1x64x128xf32, #tpu.memory_space<vmem>>
        %dma_wait3A_475 = tpu.memref_squeeze %dma_wait3A_474 : memref<1x64x128xf32, #tpu.memory_space<vmem>> -> memref<64x128xf32, #tpu.memory_space<vmem>>
        %dma_wait3A_476 = arith.constant 0 : i32
        %dma_wait3A_477 = arith.constant 0 : i32
        %dma_wait3A_478 = tpu.memref_slice %arg3[%dma_wait3A_476, %dma_wait3A_477] : memref<10000x128xf32, #tpu.memory_space<hbm>> -> memref<64x128xf32, #tpu.memory_space<hbm>>
        %dma_wait3A_479 = arith.constant 0 : i32
        %dma_wait3A_480 = arith.constant 0 : i32
        %dma_wait3A_481 = tpu.memref_slice %arg9[%dma_wait3A_471, %dma_wait3A_479, %dma_wait3A_480] : memref<5x64x128xf32, #tpu.memory_space<vmem>> -> memref<1x64x128xf32, #tpu.memory_space<vmem>>
        %dma_wait3A_482 = tpu.memref_squeeze %dma_wait3A_481 : memref<1x64x128xf32, #tpu.memory_space<vmem>> -> memref<64x128xf32, #tpu.memory_space<vmem>>
        %dma_wait3A_483 = arith.constant 0 : i32
        %dma_wait3A_484 = arith.constant 0 : i32
        %dma_wait3A_485 = tpu.memref_slice %arg3[%dma_wait3A_483, %dma_wait3A_484] : memref<10000x128xf32, #tpu.memory_space<hbm>> -> memref<64x128xf32, #tpu.memory_space<hbm>>
        tpu.wait_dma2 semaphore(%arg19 : memref<!tpu.dma_semaphore, #tpu.memory_space<semaphore_mem>>) src(%dma_wait3A_485 : memref<64x128xf32, #tpu.memory_space<hbm>>) dst(%dma_wait3A_482 : memref<64x128xf32, #tpu.memory_space<vmem>>)
        %dma_start3A_486 = arith.constant 4 : i32
        %dma_start3A_487 = arith.constant 4 : i32
        %dma_start3A_488 = arith.constant 0 : i32
        %dma_start3A_489 = arith.constant 0 : i32
        %dma_start3A_490 = tpu.memref_slice %arg9[%dma_start3A_486, %dma_start3A_488, %dma_start3A_489] : memref<5x64x128xf32, #tpu.memory_space<vmem>> -> memref<1x64x128xf32, #tpu.memory_space<vmem>>
        %dma_start3A_491 = tpu.memref_squeeze %dma_start3A_490 : memref<1x64x128xf32, #tpu.memory_space<vmem>> -> memref<64x128xf32, #tpu.memory_space<vmem>>
        %dma_start3A_492 = arith.constant 0 : i32
        %dma_start3A_493 = tpu.memref_slice %arg8[%dma_start3A_487, %dma_start3A_492] : memref<5x64xi32, #tpu.memory_space<vmem>> -> memref<1x64xi32, #tpu.memory_space<vmem>>
        %dma_start3A_494 = tpu.memref_squeeze %dma_start3A_493 : memref<1x64xi32, #tpu.memory_space<vmem>> -> memref<64xi32, #tpu.memory_space<vmem>>
        %dma_start3A_495 = arith.constant 0 : i32
        %dma_start3A_496 = arith.constant 0 : i32
        %dma_start3A_497 = tpu.memref_slice %arg6[%dma_start3A_495, %dma_start3A_496] : memref<10240x128xf32, #tpu.memory_space<vmem_shared>> -> memref<10240x128xf32, #tpu.memory_space<vmem_shared>>
        tpu.enqueue_indirect_dma source(%dma_start3A_491 : memref<64x128xf32, #tpu.memory_space<vmem>>) target(%dma_start3A_497 : memref<10240x128xf32, #tpu.memory_space<vmem_shared>>) offsets(%dma_start3A_494 : memref<64xi32, #tpu.memory_space<vmem>>) semaphore(%arg24 : memref<!tpu.dma_semaphore, #tpu.memory_space<semaphore_mem>>) {add = true}
      } else {
      }
      %mul3A_365 = arith.constant 5 : i32
      %mul3A_366 = arith.muli %mul3A_365, %scan3A_208 : i32
      %add3A_367 = arith.constant 3 : i32
      %add3A_368 = arith.addi %mul3A_366, %add3A_367 : i32
      %ge3A_369 = arith.constant 5 : i32
      %ge3A_370 = arith.cmpi sge, %add3A_368, %ge3A_369 : i32
      %convert_element_type3A_371 = arith.extui %ge3A_370 : i1 to i32
      %cond3A_372 = arith.constant 0 : i32
      %cond3A_373 = arith.cmpi ne, %convert_element_type3A_371, %cond3A_372 : i32
      scf.if %cond3A_373 {
        %dma_wait3A_471 = arith.constant 3 : i32
        %dma_wait3A_472 = arith.constant 0 : i32
        %dma_wait3A_473 = arith.constant 0 : i32
        %dma_wait3A_474 = tpu.memref_slice %arg9[%dma_wait3A_471, %dma_wait3A_472, %dma_wait3A_473] : memref<5x64x128xf32, #tpu.memory_space<vmem>> -> memref<1x64x128xf32, #tpu.memory_space<vmem>>
        %dma_wait3A_475 = tpu.memref_squeeze %dma_wait3A_474 : memref<1x64x128xf32, #tpu.memory_space<vmem>> -> memref<64x128xf32, #tpu.memory_space<vmem>>
        %dma_wait3A_476 = arith.constant 0 : i32
        %dma_wait3A_477 = arith.constant 0 : i32
        %dma_wait3A_478 = tpu.memref_slice %arg3[%dma_wait3A_476, %dma_wait3A_477] : memref<10000x128xf32, #tpu.memory_space<hbm>> -> memref<64x128xf32, #tpu.memory_space<hbm>>
        %dma_wait3A_479 = arith.constant 0 : i32
        %dma_wait3A_480 = arith.constant 0 : i32
        %dma_wait3A_481 = tpu.memref_slice %arg9[%dma_wait3A_471, %dma_wait3A_479, %dma_wait3A_480] : memref<5x64x128xf32, #tpu.memory_space<vmem>> -> memref<1x64x128xf32, #tpu.memory_space<vmem>>
        %dma_wait3A_482 = tpu.memref_squeeze %dma_wait3A_481 : memref<1x64x128xf32, #tpu.memory_space<vmem>> -> memref<64x128xf32, #tpu.memory_space<vmem>>
        %dma_wait3A_483 = arith.constant 0 : i32
        %dma_wait3A_484 = arith.constant 0 : i32
        %dma_wait3A_485 = tpu.memref_slice %arg3[%dma_wait3A_483, %dma_wait3A_484] : memref<10000x128xf32, #tpu.memory_space<hbm>> -> memref<64x128xf32, #tpu.memory_space<hbm>>
        tpu.wait_dma2 semaphore(%arg23 : memref<!tpu.dma_semaphore, #tpu.memory_space<semaphore_mem>>) src(%dma_wait3A_485 : memref<64x128xf32, #tpu.memory_space<hbm>>) dst(%dma_wait3A_482 : memref<64x128xf32, #tpu.memory_space<vmem>>)
      } else {
      }
      %mul3A_374 = arith.constant 160 : i32
      %mul3A_375 = arith.muli %add3A, %mul3A_374 : i32
      %add3A_376 = arith.addi %mul3A_375, %add3A_368 : i32
      %dma_start3A_377 = arith.constant 0 : i32
      %dma_start3A_378 = arith.constant 3 : i32
      %dma_start3A_379 = arith.constant 0 : i32
      %dma_start3A_380 = tpu.memref_slice %arg7[%dma_start3A_378, %dma_start3A_379] : memref<5x64xi32, #tpu.memory_space<vmem>> -> memref<1x64xi32, #tpu.memory_space<vmem>>
      %dma_start3A_381 = tpu.memref_squeeze %dma_start3A_380 : memref<1x64xi32, #tpu.memory_space<vmem>> -> memref<64xi32, #tpu.memory_space<vmem>>
      %dma_start3A_382 = arith.constant 0 : i32
      %dma_start3A_383 = tpu.memref_slice %arg2[%dma_start3A_377, %add3A_376, %dma_start3A_382] : memref<2x5120x64xi32, #tpu.memory_space<hbm>> -> memref<1x1x64xi32, #tpu.memory_space<hbm>>
      %dma_start3A_384 = tpu.memref_squeeze %dma_start3A_383 : memref<1x1x64xi32, #tpu.memory_space<hbm>> -> memref<64xi32, #tpu.memory_space<hbm>>
      %dma_start3A_385 = arith.constant 0 : i32
      %dma_start3A_386 = tpu.memref_slice %arg7[%dma_start3A_378, %dma_start3A_385] : memref<5x64xi32, #tpu.memory_space<vmem>> -> memref<1x64xi32, #tpu.memory_space<vmem>>
      %dma_start3A_387 = tpu.memref_squeeze %dma_start3A_386 : memref<1x64xi32, #tpu.memory_space<vmem>> -> memref<64xi32, #tpu.memory_space<vmem>>
      %dma_start3A_388 = arith.constant 0 : i32
      %dma_start3A_389 = tpu.memref_slice %arg2[%dma_start3A_377, %add3A_376, %dma_start3A_388] : memref<2x5120x64xi32, #tpu.memory_space<hbm>> -> memref<1x1x64xi32, #tpu.memory_space<hbm>>
      %dma_start3A_390 = tpu.memref_squeeze %dma_start3A_389 : memref<1x1x64xi32, #tpu.memory_space<hbm>> -> memref<64xi32, #tpu.memory_space<hbm>>
      tpu.enqueue_dma source(%dma_start3A_390 : memref<64xi32, #tpu.memory_space<hbm>>) target(%dma_start3A_387 : memref<64xi32, #tpu.memory_space<vmem>>) target_semaphore(%arg13 : memref<!tpu.dma_semaphore, #tpu.memory_space<semaphore_mem>>)
      %mul3A_391 = arith.constant 160 : i32
      %mul3A_392 = arith.muli %add3A, %mul3A_391 : i32
      %add3A_393 = arith.addi %mul3A_392, %add3A_368 : i32
      %dma_start3A_394 = arith.constant 1 : i32
      %dma_start3A_395 = arith.constant 3 : i32
      %dma_start3A_396 = arith.constant 0 : i32
      %dma_start3A_397 = tpu.memref_slice %arg8[%dma_start3A_395, %dma_start3A_396] : memref<5x64xi32, #tpu.memory_space<vmem>> -> memref<1x64xi32, #tpu.memory_space<vmem>>
      %dma_start3A_398 = tpu.memref_squeeze %dma_start3A_397 : memref<1x64xi32, #tpu.memory_space<vmem>> -> memref<64xi32, #tpu.memory_space<vmem>>
      %dma_start3A_399 = arith.constant 0 : i32
      %dma_start3A_400 = tpu.memref_slice %arg2[%dma_start3A_394, %add3A_393, %dma_start3A_399] : memref<2x5120x64xi32, #tpu.memory_space<hbm>> -> memref<1x1x64xi32, #tpu.memory_space<hbm>>
      %dma_start3A_401 = tpu.memref_squeeze %dma_start3A_400 : memref<1x1x64xi32, #tpu.memory_space<hbm>> -> memref<64xi32, #tpu.memory_space<hbm>>
      %dma_start3A_402 = arith.constant 0 : i32
      %dma_start3A_403 = tpu.memref_slice %arg8[%dma_start3A_395, %dma_start3A_402] : memref<5x64xi32, #tpu.memory_space<vmem>> -> memref<1x64xi32, #tpu.memory_space<vmem>>
      %dma_start3A_404 = tpu.memref_squeeze %dma_start3A_403 : memref<1x64xi32, #tpu.memory_space<vmem>> -> memref<64xi32, #tpu.memory_space<vmem>>
      %dma_start3A_405 = arith.constant 0 : i32
      %dma_start3A_406 = tpu.memref_slice %arg2[%dma_start3A_394, %add3A_393, %dma_start3A_405] : memref<2x5120x64xi32, #tpu.memory_space<hbm>> -> memref<1x1x64xi32, #tpu.memory_space<hbm>>
      %dma_start3A_407 = tpu.memref_squeeze %dma_start3A_406 : memref<1x1x64xi32, #tpu.memory_space<hbm>> -> memref<64xi32, #tpu.memory_space<hbm>>
      tpu.enqueue_dma source(%dma_start3A_407 : memref<64xi32, #tpu.memory_space<hbm>>) target(%dma_start3A_404 : memref<64xi32, #tpu.memory_space<vmem>>) target_semaphore(%arg13 : memref<!tpu.dma_semaphore, #tpu.memory_space<semaphore_mem>>)
      %ge3A_408 = arith.constant 1 : i32
      %ge3A_409 = arith.cmpi sge, %add3A_368, %ge3A_408 : i32
      %convert_element_type3A_410 = arith.extui %ge3A_409 : i1 to i32
      %cond3A_411 = arith.constant 0 : i32
      %cond3A_412 = arith.cmpi ne, %convert_element_type3A_410, %cond3A_411 : i32
      scf.if %cond3A_412 {
        %dma_wait3A_471 = arith.constant 0 : i32
        %dma_wait3A_472 = arith.constant 0 : i32
        %dma_wait3A_473 = arith.constant 2 : i32
        %dma_wait3A_474 = arith.constant 0 : i32
        %dma_wait3A_475 = tpu.memref_slice %arg7[%dma_wait3A_473, %dma_wait3A_474] : memref<5x64xi32, #tpu.memory_space<vmem>> -> memref<1x64xi32, #tpu.memory_space<vmem>>
        %dma_wait3A_476 = tpu.memref_squeeze %dma_wait3A_475 : memref<1x64xi32, #tpu.memory_space<vmem>> -> memref<64xi32, #tpu.memory_space<vmem>>
        %dma_wait3A_477 = arith.constant 0 : i32
        %dma_wait3A_478 = tpu.memref_slice %arg2[%dma_wait3A_471, %dma_wait3A_472, %dma_wait3A_477] : memref<2x5120x64xi32, #tpu.memory_space<hbm>> -> memref<1x1x64xi32, #tpu.memory_space<hbm>>
        %dma_wait3A_479 = tpu.memref_squeeze %dma_wait3A_478 : memref<1x1x64xi32, #tpu.memory_space<hbm>> -> memref<64xi32, #tpu.memory_space<hbm>>
        %dma_wait3A_480 = arith.constant 0 : i32
        %dma_wait3A_481 = tpu.memref_slice %arg7[%dma_wait3A_473, %dma_wait3A_480] : memref<5x64xi32, #tpu.memory_space<vmem>> -> memref<1x64xi32, #tpu.memory_space<vmem>>
        %dma_wait3A_482 = tpu.memref_squeeze %dma_wait3A_481 : memref<1x64xi32, #tpu.memory_space<vmem>> -> memref<64xi32, #tpu.memory_space<vmem>>
        %dma_wait3A_483 = arith.constant 0 : i32
        %dma_wait3A_484 = tpu.memref_slice %arg2[%dma_wait3A_471, %dma_wait3A_472, %dma_wait3A_483] : memref<2x5120x64xi32, #tpu.memory_space<hbm>> -> memref<1x1x64xi32, #tpu.memory_space<hbm>>
        %dma_wait3A_485 = tpu.memref_squeeze %dma_wait3A_484 : memref<1x1x64xi32, #tpu.memory_space<hbm>> -> memref<64xi32, #tpu.memory_space<hbm>>
        tpu.wait_dma2 semaphore(%arg12 : memref<!tpu.dma_semaphore, #tpu.memory_space<semaphore_mem>>) src(%dma_wait3A_485 : memref<64xi32, #tpu.memory_space<hbm>>) dst(%dma_wait3A_482 : memref<64xi32, #tpu.memory_space<vmem>>)
        %dma_wait3A_486 = arith.constant 1 : i32
        %dma_wait3A_487 = arith.constant 0 : i32
        %dma_wait3A_488 = arith.constant 2 : i32
        %dma_wait3A_489 = arith.constant 0 : i32
        %dma_wait3A_490 = tpu.memref_slice %arg8[%dma_wait3A_488, %dma_wait3A_489] : memref<5x64xi32, #tpu.memory_space<vmem>> -> memref<1x64xi32, #tpu.memory_space<vmem>>
        %dma_wait3A_491 = tpu.memref_squeeze %dma_wait3A_490 : memref<1x64xi32, #tpu.memory_space<vmem>> -> memref<64xi32, #tpu.memory_space<vmem>>
        %dma_wait3A_492 = arith.constant 0 : i32
        %dma_wait3A_493 = tpu.memref_slice %arg2[%dma_wait3A_486, %dma_wait3A_487, %dma_wait3A_492] : memref<2x5120x64xi32, #tpu.memory_space<hbm>> -> memref<1x1x64xi32, #tpu.memory_space<hbm>>
        %dma_wait3A_494 = tpu.memref_squeeze %dma_wait3A_493 : memref<1x1x64xi32, #tpu.memory_space<hbm>> -> memref<64xi32, #tpu.memory_space<hbm>>
        %dma_wait3A_495 = arith.constant 0 : i32
        %dma_wait3A_496 = tpu.memref_slice %arg8[%dma_wait3A_488, %dma_wait3A_495] : memref<5x64xi32, #tpu.memory_space<vmem>> -> memref<1x64xi32, #tpu.memory_space<vmem>>
        %dma_wait3A_497 = tpu.memref_squeeze %dma_wait3A_496 : memref<1x64xi32, #tpu.memory_space<vmem>> -> memref<64xi32, #tpu.memory_space<vmem>>
        %dma_wait3A_498 = arith.constant 0 : i32
        %dma_wait3A_499 = tpu.memref_slice %arg2[%dma_wait3A_486, %dma_wait3A_487, %dma_wait3A_498] : memref<2x5120x64xi32, #tpu.memory_space<hbm>> -> memref<1x1x64xi32, #tpu.memory_space<hbm>>
        %dma_wait3A_500 = tpu.memref_squeeze %dma_wait3A_499 : memref<1x1x64xi32, #tpu.memory_space<hbm>> -> memref<64xi32, #tpu.memory_space<hbm>>
        tpu.wait_dma2 semaphore(%arg12 : memref<!tpu.dma_semaphore, #tpu.memory_space<semaphore_mem>>) src(%dma_wait3A_500 : memref<64xi32, #tpu.memory_space<hbm>>) dst(%dma_wait3A_497 : memref<64xi32, #tpu.memory_space<vmem>>)
        %dma_start3A_501 = arith.constant 2 : i32
        %dma_start3A_502 = arith.constant 2 : i32
        %dma_start3A_503 = arith.constant 0 : i32
        %dma_start3A_504 = arith.constant 0 : i32
        %dma_start3A_505 = tpu.memref_slice %arg9[%dma_start3A_502, %dma_start3A_503, %dma_start3A_504] : memref<5x64x128xf32, #tpu.memory_space<vmem>> -> memref<1x64x128xf32, #tpu.memory_space<vmem>>
        %dma_start3A_506 = tpu.memref_squeeze %dma_start3A_505 : memref<1x64x128xf32, #tpu.memory_space<vmem>> -> memref<64x128xf32, #tpu.memory_space<vmem>>
        %dma_start3A_507 = arith.constant 0 : i32
        %dma_start3A_508 = tpu.memref_slice %arg7[%dma_start3A_501, %dma_start3A_507] : memref<5x64xi32, #tpu.memory_space<vmem>> -> memref<1x64xi32, #tpu.memory_space<vmem>>
        %dma_start3A_509 = tpu.memref_squeeze %dma_start3A_508 : memref<1x64xi32, #tpu.memory_space<vmem>> -> memref<64xi32, #tpu.memory_space<vmem>>
        %dma_start3A_510 = arith.constant 0 : i32
        %dma_start3A_511 = arith.constant 0 : i32
        %dma_start3A_512 = tpu.memref_slice %arg3[%dma_start3A_510, %dma_start3A_511] : memref<10000x128xf32, #tpu.memory_space<hbm>> -> memref<10000x128xf32, #tpu.memory_space<hbm>>
        tpu.enqueue_indirect_dma source(%dma_start3A_512 : memref<10000x128xf32, #tpu.memory_space<hbm>>) target(%dma_start3A_506 : memref<64x128xf32, #tpu.memory_space<vmem>>) offsets(%dma_start3A_509 : memref<64xi32, #tpu.memory_space<vmem>>) semaphore(%arg17 : memref<!tpu.dma_semaphore, #tpu.memory_space<semaphore_mem>>)
      } else {
      }
      %ge3A_413 = arith.constant 3 : i32
      %ge3A_414 = arith.cmpi sge, %add3A_368, %ge3A_413 : i32
      %convert_element_type3A_415 = arith.extui %ge3A_414 : i1 to i32
      %cond3A_416 = arith.constant 0 : i32
      %cond3A_417 = arith.cmpi ne, %convert_element_type3A_415, %cond3A_416 : i32
      scf.if %cond3A_417 {
        %dma_wait3A_471 = arith.constant 0 : i32
        %dma_wait3A_472 = arith.constant 0 : i32
        %dma_wait3A_473 = arith.constant 0 : i32
        %dma_wait3A_474 = tpu.memref_slice %arg9[%dma_wait3A_471, %dma_wait3A_472, %dma_wait3A_473] : memref<5x64x128xf32, #tpu.memory_space<vmem>> -> memref<1x64x128xf32, #tpu.memory_space<vmem>>
        %dma_wait3A_475 = tpu.memref_squeeze %dma_wait3A_474 : memref<1x64x128xf32, #tpu.memory_space<vmem>> -> memref<64x128xf32, #tpu.memory_space<vmem>>
        %dma_wait3A_476 = arith.constant 0 : i32
        %dma_wait3A_477 = arith.constant 0 : i32
        %dma_wait3A_478 = tpu.memref_slice %arg3[%dma_wait3A_476, %dma_wait3A_477] : memref<10000x128xf32, #tpu.memory_space<hbm>> -> memref<64x128xf32, #tpu.memory_space<hbm>>
        %dma_wait3A_479 = arith.constant 0 : i32
        %dma_wait3A_480 = arith.constant 0 : i32
        %dma_wait3A_481 = tpu.memref_slice %arg9[%dma_wait3A_471, %dma_wait3A_479, %dma_wait3A_480] : memref<5x64x128xf32, #tpu.memory_space<vmem>> -> memref<1x64x128xf32, #tpu.memory_space<vmem>>
        %dma_wait3A_482 = tpu.memref_squeeze %dma_wait3A_481 : memref<1x64x128xf32, #tpu.memory_space<vmem>> -> memref<64x128xf32, #tpu.memory_space<vmem>>
        %dma_wait3A_483 = arith.constant 0 : i32
        %dma_wait3A_484 = arith.constant 0 : i32
        %dma_wait3A_485 = tpu.memref_slice %arg3[%dma_wait3A_483, %dma_wait3A_484] : memref<10000x128xf32, #tpu.memory_space<hbm>> -> memref<64x128xf32, #tpu.memory_space<hbm>>
        tpu.wait_dma2 semaphore(%arg15 : memref<!tpu.dma_semaphore, #tpu.memory_space<semaphore_mem>>) src(%dma_wait3A_485 : memref<64x128xf32, #tpu.memory_space<hbm>>) dst(%dma_wait3A_482 : memref<64x128xf32, #tpu.memory_space<vmem>>)
        %dma_start3A_486 = arith.constant 0 : i32
        %dma_start3A_487 = arith.constant 0 : i32
        %dma_start3A_488 = arith.constant 0 : i32
        %dma_start3A_489 = arith.constant 0 : i32
        %dma_start3A_490 = tpu.memref_slice %arg9[%dma_start3A_486, %dma_start3A_488, %dma_start3A_489] : memref<5x64x128xf32, #tpu.memory_space<vmem>> -> memref<1x64x128xf32, #tpu.memory_space<vmem>>
        %dma_start3A_491 = tpu.memref_squeeze %dma_start3A_490 : memref<1x64x128xf32, #tpu.memory_space<vmem>> -> memref<64x128xf32, #tpu.memory_space<vmem>>
        %dma_start3A_492 = arith.constant 0 : i32
        %dma_start3A_493 = tpu.memref_slice %arg8[%dma_start3A_487, %dma_start3A_492] : memref<5x64xi32, #tpu.memory_space<vmem>> -> memref<1x64xi32, #tpu.memory_space<vmem>>
        %dma_start3A_494 = tpu.memref_squeeze %dma_start3A_493 : memref<1x64xi32, #tpu.memory_space<vmem>> -> memref<64xi32, #tpu.memory_space<vmem>>
        %dma_start3A_495 = arith.constant 0 : i32
        %dma_start3A_496 = arith.constant 0 : i32
        %dma_start3A_497 = tpu.memref_slice %arg6[%dma_start3A_495, %dma_start3A_496] : memref<10240x128xf32, #tpu.memory_space<vmem_shared>> -> memref<10240x128xf32, #tpu.memory_space<vmem_shared>>
        tpu.enqueue_indirect_dma source(%dma_start3A_491 : memref<64x128xf32, #tpu.memory_space<vmem>>) target(%dma_start3A_497 : memref<10240x128xf32, #tpu.memory_space<vmem_shared>>) offsets(%dma_start3A_494 : memref<64xi32, #tpu.memory_space<vmem>>) semaphore(%arg20 : memref<!tpu.dma_semaphore, #tpu.memory_space<semaphore_mem>>) {add = true}
      } else {
      }
      %mul3A_418 = arith.constant 5 : i32
      %mul3A_419 = arith.muli %mul3A_418, %scan3A_208 : i32
      %add3A_420 = arith.constant 4 : i32
      %add3A_421 = arith.addi %mul3A_419, %add3A_420 : i32
      %ge3A_422 = arith.constant 5 : i32
      %ge3A_423 = arith.cmpi sge, %add3A_421, %ge3A_422 : i32
      %convert_element_type3A_424 = arith.extui %ge3A_423 : i1 to i32
      %cond3A_425 = arith.constant 0 : i32
      %cond3A_426 = arith.cmpi ne, %convert_element_type3A_424, %cond3A_425 : i32
      scf.if %cond3A_426 {
        %dma_wait3A_471 = arith.constant 4 : i32
        %dma_wait3A_472 = arith.constant 0 : i32
        %dma_wait3A_473 = arith.constant 0 : i32
        %dma_wait3A_474 = tpu.memref_slice %arg9[%dma_wait3A_471, %dma_wait3A_472, %dma_wait3A_473] : memref<5x64x128xf32, #tpu.memory_space<vmem>> -> memref<1x64x128xf32, #tpu.memory_space<vmem>>
        %dma_wait3A_475 = tpu.memref_squeeze %dma_wait3A_474 : memref<1x64x128xf32, #tpu.memory_space<vmem>> -> memref<64x128xf32, #tpu.memory_space<vmem>>
        %dma_wait3A_476 = arith.constant 0 : i32
        %dma_wait3A_477 = arith.constant 0 : i32
        %dma_wait3A_478 = tpu.memref_slice %arg3[%dma_wait3A_476, %dma_wait3A_477] : memref<10000x128xf32, #tpu.memory_space<hbm>> -> memref<64x128xf32, #tpu.memory_space<hbm>>
        %dma_wait3A_479 = arith.constant 0 : i32
        %dma_wait3A_480 = arith.constant 0 : i32
        %dma_wait3A_481 = tpu.memref_slice %arg9[%dma_wait3A_471, %dma_wait3A_479, %dma_wait3A_480] : memref<5x64x128xf32, #tpu.memory_space<vmem>> -> memref<1x64x128xf32, #tpu.memory_space<vmem>>
        %dma_wait3A_482 = tpu.memref_squeeze %dma_wait3A_481 : memref<1x64x128xf32, #tpu.memory_space<vmem>> -> memref<64x128xf32, #tpu.memory_space<vmem>>
        %dma_wait3A_483 = arith.constant 0 : i32
        %dma_wait3A_484 = arith.constant 0 : i32
        %dma_wait3A_485 = tpu.memref_slice %arg3[%dma_wait3A_483, %dma_wait3A_484] : memref<10000x128xf32, #tpu.memory_space<hbm>> -> memref<64x128xf32, #tpu.memory_space<hbm>>
        tpu.wait_dma2 semaphore(%arg24 : memref<!tpu.dma_semaphore, #tpu.memory_space<semaphore_mem>>) src(%dma_wait3A_485 : memref<64x128xf32, #tpu.memory_space<hbm>>) dst(%dma_wait3A_482 : memref<64x128xf32, #tpu.memory_space<vmem>>)
      } else {
      }
      %mul3A_427 = arith.constant 160 : i32
      %mul3A_428 = arith.muli %add3A, %mul3A_427 : i32
      %add3A_429 = arith.addi %mul3A_428, %add3A_421 : i32
      %dma_start3A_430 = arith.constant 0 : i32
      %dma_start3A_431 = arith.constant 4 : i32
      %dma_start3A_432 = arith.constant 0 : i32
      %dma_start3A_433 = tpu.memref_slice %arg7[%dma_start3A_431, %dma_start3A_432] : memref<5x64xi32, #tpu.memory_space<vmem>> -> memref<1x64xi32, #tpu.memory_space<vmem>>
      %dma_start3A_434 = tpu.memref_squeeze %dma_start3A_433 : memref<1x64xi32, #tpu.memory_space<vmem>> -> memref<64xi32, #tpu.memory_space<vmem>>
      %dma_start3A_435 = arith.constant 0 : i32
      %dma_start3A_436 = tpu.memref_slice %arg2[%dma_start3A_430, %add3A_429, %dma_start3A_435] : memref<2x5120x64xi32, #tpu.memory_space<hbm>> -> memref<1x1x64xi32, #tpu.memory_space<hbm>>
      %dma_start3A_437 = tpu.memref_squeeze %dma_start3A_436 : memref<1x1x64xi32, #tpu.memory_space<hbm>> -> memref<64xi32, #tpu.memory_space<hbm>>
      %dma_start3A_438 = arith.constant 0 : i32
      %dma_start3A_439 = tpu.memref_slice %arg7[%dma_start3A_431, %dma_start3A_438] : memref<5x64xi32, #tpu.memory_space<vmem>> -> memref<1x64xi32, #tpu.memory_space<vmem>>
      %dma_start3A_440 = tpu.memref_squeeze %dma_start3A_439 : memref<1x64xi32, #tpu.memory_space<vmem>> -> memref<64xi32, #tpu.memory_space<vmem>>
      %dma_start3A_441 = arith.constant 0 : i32
      %dma_start3A_442 = tpu.memref_slice %arg2[%dma_start3A_430, %add3A_429, %dma_start3A_441] : memref<2x5120x64xi32, #tpu.memory_space<hbm>> -> memref<1x1x64xi32, #tpu.memory_space<hbm>>
      %dma_start3A_443 = tpu.memref_squeeze %dma_start3A_442 : memref<1x1x64xi32, #tpu.memory_space<hbm>> -> memref<64xi32, #tpu.memory_space<hbm>>
      tpu.enqueue_dma source(%dma_start3A_443 : memref<64xi32, #tpu.memory_space<hbm>>) target(%dma_start3A_440 : memref<64xi32, #tpu.memory_space<vmem>>) target_semaphore(%arg14 : memref<!tpu.dma_semaphore, #tpu.memory_space<semaphore_mem>>)
      %mul3A_444 = arith.constant 160 : i32
      %mul3A_445 = arith.muli %add3A, %mul3A_444 : i32
      %add3A_446 = arith.addi %mul3A_445, %add3A_421 : i32
      %dma_start3A_447 = arith.constant 1 : i32
      %dma_start3A_448 = arith.constant 4 : i32
      %dma_start3A_449 = arith.constant 0 : i32
      %dma_start3A_450 = tpu.memref_slice %arg8[%dma_start3A_448, %dma_start3A_449] : memref<5x64xi32, #tpu.memory_space<vmem>> -> memref<1x64xi32, #tpu.memory_space<vmem>>
      %dma_start3A_451 = tpu.memref_squeeze %dma_start3A_450 : memref<1x64xi32, #tpu.memory_space<vmem>> -> memref<64xi32, #tpu.memory_space<vmem>>
      %dma_start3A_452 = arith.constant 0 : i32
      %dma_start3A_453 = tpu.memref_slice %arg2[%dma_start3A_447, %add3A_446, %dma_start3A_452] : memref<2x5120x64xi32, #tpu.memory_space<hbm>> -> memref<1x1x64xi32, #tpu.memory_space<hbm>>
      %dma_start3A_454 = tpu.memref_squeeze %dma_start3A_453 : memref<1x1x64xi32, #tpu.memory_space<hbm>> -> memref<64xi32, #tpu.memory_space<hbm>>
      %dma_start3A_455 = arith.constant 0 : i32
      %dma_start3A_456 = tpu.memref_slice %arg8[%dma_start3A_448, %dma_start3A_455] : memref<5x64xi32, #tpu.memory_space<vmem>> -> memref<1x64xi32, #tpu.memory_space<vmem>>
      %dma_start3A_457 = tpu.memref_squeeze %dma_start3A_456 : memref<1x64xi32, #tpu.memory_space<vmem>> -> memref<64xi32, #tpu.memory_space<vmem>>
      %dma_start3A_458 = arith.constant 0 : i32
      %dma_start3A_459 = tpu.memref_slice %arg2[%dma_start3A_447, %add3A_446, %dma_start3A_458] : memref<2x5120x64xi32, #tpu.memory_space<hbm>> -> memref<1x1x64xi32, #tpu.memory_space<hbm>>
      %dma_start3A_460 = tpu.memref_squeeze %dma_start3A_459 : memref<1x1x64xi32, #tpu.memory_space<hbm>> -> memref<64xi32, #tpu.memory_space<hbm>>
      tpu.enqueue_dma source(%dma_start3A_460 : memref<64xi32, #tpu.memory_space<hbm>>) target(%dma_start3A_457 : memref<64xi32, #tpu.memory_space<vmem>>) target_semaphore(%arg14 : memref<!tpu.dma_semaphore, #tpu.memory_space<semaphore_mem>>)
      %ge3A_461 = arith.constant 1 : i32
      %ge3A_462 = arith.cmpi sge, %add3A_421, %ge3A_461 : i32
      %convert_element_type3A_463 = arith.extui %ge3A_462 : i1 to i32
      %cond3A_464 = arith.constant 0 : i32
      %cond3A_465 = arith.cmpi ne, %convert_element_type3A_463, %cond3A_464 : i32
      scf.if %cond3A_465 {
        %dma_wait3A_471 = arith.constant 0 : i32
        %dma_wait3A_472 = arith.constant 0 : i32
        %dma_wait3A_473 = arith.constant 3 : i32
        %dma_wait3A_474 = arith.constant 0 : i32
        %dma_wait3A_475 = tpu.memref_slice %arg7[%dma_wait3A_473, %dma_wait3A_474] : memref<5x64xi32, #tpu.memory_space<vmem>> -> memref<1x64xi32, #tpu.memory_space<vmem>>
        %dma_wait3A_476 = tpu.memref_squeeze %dma_wait3A_475 : memref<1x64xi32, #tpu.memory_space<vmem>> -> memref<64xi32, #tpu.memory_space<vmem>>
        %dma_wait3A_477 = arith.constant 0 : i32
        %dma_wait3A_478 = tpu.memref_slice %arg2[%dma_wait3A_471, %dma_wait3A_472, %dma_wait3A_477] : memref<2x5120x64xi32, #tpu.memory_space<hbm>> -> memref<1x1x64xi32, #tpu.memory_space<hbm>>
        %dma_wait3A_479 = tpu.memref_squeeze %dma_wait3A_478 : memref<1x1x64xi32, #tpu.memory_space<hbm>> -> memref<64xi32, #tpu.memory_space<hbm>>
        %dma_wait3A_480 = arith.constant 0 : i32
        %dma_wait3A_481 = tpu.memref_slice %arg7[%dma_wait3A_473, %dma_wait3A_480] : memref<5x64xi32, #tpu.memory_space<vmem>> -> memref<1x64xi32, #tpu.memory_space<vmem>>
        %dma_wait3A_482 = tpu.memref_squeeze %dma_wait3A_481 : memref<1x64xi32, #tpu.memory_space<vmem>> -> memref<64xi32, #tpu.memory_space<vmem>>
        %dma_wait3A_483 = arith.constant 0 : i32
        %dma_wait3A_484 = tpu.memref_slice %arg2[%dma_wait3A_471, %dma_wait3A_472, %dma_wait3A_483] : memref<2x5120x64xi32, #tpu.memory_space<hbm>> -> memref<1x1x64xi32, #tpu.memory_space<hbm>>
        %dma_wait3A_485 = tpu.memref_squeeze %dma_wait3A_484 : memref<1x1x64xi32, #tpu.memory_space<hbm>> -> memref<64xi32, #tpu.memory_space<hbm>>
        tpu.wait_dma2 semaphore(%arg13 : memref<!tpu.dma_semaphore, #tpu.memory_space<semaphore_mem>>) src(%dma_wait3A_485 : memref<64xi32, #tpu.memory_space<hbm>>) dst(%dma_wait3A_482 : memref<64xi32, #tpu.memory_space<vmem>>)
        %dma_wait3A_486 = arith.constant 1 : i32
        %dma_wait3A_487 = arith.constant 0 : i32
        %dma_wait3A_488 = arith.constant 3 : i32
        %dma_wait3A_489 = arith.constant 0 : i32
        %dma_wait3A_490 = tpu.memref_slice %arg8[%dma_wait3A_488, %dma_wait3A_489] : memref<5x64xi32, #tpu.memory_space<vmem>> -> memref<1x64xi32, #tpu.memory_space<vmem>>
        %dma_wait3A_491 = tpu.memref_squeeze %dma_wait3A_490 : memref<1x64xi32, #tpu.memory_space<vmem>> -> memref<64xi32, #tpu.memory_space<vmem>>
        %dma_wait3A_492 = arith.constant 0 : i32
        %dma_wait3A_493 = tpu.memref_slice %arg2[%dma_wait3A_486, %dma_wait3A_487, %dma_wait3A_492] : memref<2x5120x64xi32, #tpu.memory_space<hbm>> -> memref<1x1x64xi32, #tpu.memory_space<hbm>>
        %dma_wait3A_494 = tpu.memref_squeeze %dma_wait3A_493 : memref<1x1x64xi32, #tpu.memory_space<hbm>> -> memref<64xi32, #tpu.memory_space<hbm>>
        %dma_wait3A_495 = arith.constant 0 : i32
        %dma_wait3A_496 = tpu.memref_slice %arg8[%dma_wait3A_488, %dma_wait3A_495] : memref<5x64xi32, #tpu.memory_space<vmem>> -> memref<1x64xi32, #tpu.memory_space<vmem>>
        %dma_wait3A_497 = tpu.memref_squeeze %dma_wait3A_496 : memref<1x64xi32, #tpu.memory_space<vmem>> -> memref<64xi32, #tpu.memory_space<vmem>>
        %dma_wait3A_498 = arith.constant 0 : i32
        %dma_wait3A_499 = tpu.memref_slice %arg2[%dma_wait3A_486, %dma_wait3A_487, %dma_wait3A_498] : memref<2x5120x64xi32, #tpu.memory_space<hbm>> -> memref<1x1x64xi32, #tpu.memory_space<hbm>>
        %dma_wait3A_500 = tpu.memref_squeeze %dma_wait3A_499 : memref<1x1x64xi32, #tpu.memory_space<hbm>> -> memref<64xi32, #tpu.memory_space<hbm>>
        tpu.wait_dma2 semaphore(%arg13 : memref<!tpu.dma_semaphore, #tpu.memory_space<semaphore_mem>>) src(%dma_wait3A_500 : memref<64xi32, #tpu.memory_space<hbm>>) dst(%dma_wait3A_497 : memref<64xi32, #tpu.memory_space<vmem>>)
        %dma_start3A_501 = arith.constant 3 : i32
        %dma_start3A_502 = arith.constant 3 : i32
        %dma_start3A_503 = arith.constant 0 : i32
        %dma_start3A_504 = arith.constant 0 : i32
        %dma_start3A_505 = tpu.memref_slice %arg9[%dma_start3A_502, %dma_start3A_503, %dma_start3A_504] : memref<5x64x128xf32, #tpu.memory_space<vmem>> -> memref<1x64x128xf32, #tpu.memory_space<vmem>>
        %dma_start3A_506 = tpu.memref_squeeze %dma_start3A_505 : memref<1x64x128xf32, #tpu.memory_space<vmem>> -> memref<64x128xf32, #tpu.memory_space<vmem>>
        %dma_start3A_507 = arith.constant 0 : i32
        %dma_start3A_508 = tpu.memref_slice %arg7[%dma_start3A_501, %dma_start3A_507] : memref<5x64xi32, #tpu.memory_space<vmem>> -> memref<1x64xi32, #tpu.memory_space<vmem>>
        %dma_start3A_509 = tpu.memref_squeeze %dma_start3A_508 : memref<1x64xi32, #tpu.memory_space<vmem>> -> memref<64xi32, #tpu.memory_space<vmem>>
        %dma_start3A_510 = arith.constant 0 : i32
        %dma_start3A_511 = arith.constant 0 : i32
        %dma_start3A_512 = tpu.memref_slice %arg3[%dma_start3A_510, %dma_start3A_511] : memref<10000x128xf32, #tpu.memory_space<hbm>> -> memref<10000x128xf32, #tpu.memory_space<hbm>>
        tpu.enqueue_indirect_dma source(%dma_start3A_512 : memref<10000x128xf32, #tpu.memory_space<hbm>>) target(%dma_start3A_506 : memref<64x128xf32, #tpu.memory_space<vmem>>) offsets(%dma_start3A_509 : memref<64xi32, #tpu.memory_space<vmem>>) semaphore(%arg18 : memref<!tpu.dma_semaphore, #tpu.memory_space<semaphore_mem>>)
      } else {
      }
      %ge3A_466 = arith.constant 3 : i32
      %ge3A_467 = arith.cmpi sge, %add3A_421, %ge3A_466 : i32
      %convert_element_type3A_468 = arith.extui %ge3A_467 : i1 to i32
      %cond3A_469 = arith.constant 0 : i32
      %cond3A_470 = arith.cmpi ne, %convert_element_type3A_468, %cond3A_469 : i32
      scf.if %cond3A_470 {
        %dma_wait3A_471 = arith.constant 1 : i32
        %dma_wait3A_472 = arith.constant 0 : i32
        %dma_wait3A_473 = arith.constant 0 : i32
        %dma_wait3A_474 = tpu.memref_slice %arg9[%dma_wait3A_471, %dma_wait3A_472, %dma_wait3A_473] : memref<5x64x128xf32, #tpu.memory_space<vmem>> -> memref<1x64x128xf32, #tpu.memory_space<vmem>>
        %dma_wait3A_475 = tpu.memref_squeeze %dma_wait3A_474 : memref<1x64x128xf32, #tpu.memory_space<vmem>> -> memref<64x128xf32, #tpu.memory_space<vmem>>
        %dma_wait3A_476 = arith.constant 0 : i32
        %dma_wait3A_477 = arith.constant 0 : i32
        %dma_wait3A_478 = tpu.memref_slice %arg3[%dma_wait3A_476, %dma_wait3A_477] : memref<10000x128xf32, #tpu.memory_space<hbm>> -> memref<64x128xf32, #tpu.memory_space<hbm>>
        %dma_wait3A_479 = arith.constant 0 : i32
        %dma_wait3A_480 = arith.constant 0 : i32
        %dma_wait3A_481 = tpu.memref_slice %arg9[%dma_wait3A_471, %dma_wait3A_479, %dma_wait3A_480] : memref<5x64x128xf32, #tpu.memory_space<vmem>> -> memref<1x64x128xf32, #tpu.memory_space<vmem>>
        %dma_wait3A_482 = tpu.memref_squeeze %dma_wait3A_481 : memref<1x64x128xf32, #tpu.memory_space<vmem>> -> memref<64x128xf32, #tpu.memory_space<vmem>>
        %dma_wait3A_483 = arith.constant 0 : i32
        %dma_wait3A_484 = arith.constant 0 : i32
        %dma_wait3A_485 = tpu.memref_slice %arg3[%dma_wait3A_483, %dma_wait3A_484] : memref<10000x128xf32, #tpu.memory_space<hbm>> -> memref<64x128xf32, #tpu.memory_space<hbm>>
        tpu.wait_dma2 semaphore(%arg16 : memref<!tpu.dma_semaphore, #tpu.memory_space<semaphore_mem>>) src(%dma_wait3A_485 : memref<64x128xf32, #tpu.memory_space<hbm>>) dst(%dma_wait3A_482 : memref<64x128xf32, #tpu.memory_space<vmem>>)
        %dma_start3A_486 = arith.constant 1 : i32
        %dma_start3A_487 = arith.constant 1 : i32
        %dma_start3A_488 = arith.constant 0 : i32
        %dma_start3A_489 = arith.constant 0 : i32
        %dma_start3A_490 = tpu.memref_slice %arg9[%dma_start3A_486, %dma_start3A_488, %dma_start3A_489] : memref<5x64x128xf32, #tpu.memory_space<vmem>> -> memref<1x64x128xf32, #tpu.memory_space<vmem>>
        %dma_start3A_491 = tpu.memref_squeeze %dma_start3A_490 : memref<1x64x128xf32, #tpu.memory_space<vmem>> -> memref<64x128xf32, #tpu.memory_space<vmem>>
        %dma_start3A_492 = arith.constant 0 : i32
        %dma_start3A_493 = tpu.memref_slice %arg8[%dma_start3A_487, %dma_start3A_492] : memref<5x64xi32, #tpu.memory_space<vmem>> -> memref<1x64xi32, #tpu.memory_space<vmem>>
        %dma_start3A_494 = tpu.memref_squeeze %dma_start3A_493 : memref<1x64xi32, #tpu.memory_space<vmem>> -> memref<64xi32, #tpu.memory_space<vmem>>
        %dma_start3A_495 = arith.constant 0 : i32
        %dma_start3A_496 = arith.constant 0 : i32
        %dma_start3A_497 = tpu.memref_slice %arg6[%dma_start3A_495, %dma_start3A_496] : memref<10240x128xf32, #tpu.memory_space<vmem_shared>> -> memref<10240x128xf32, #tpu.memory_space<vmem_shared>>
        tpu.enqueue_indirect_dma source(%dma_start3A_491 : memref<64x128xf32, #tpu.memory_space<vmem>>) target(%dma_start3A_497 : memref<10240x128xf32, #tpu.memory_space<vmem_shared>>) offsets(%dma_start3A_494 : memref<64xi32, #tpu.memory_space<vmem>>) semaphore(%arg21 : memref<!tpu.dma_semaphore, #tpu.memory_space<semaphore_mem>>) {add = true}
      } else {
      }
    }
    %scan3A_6 = arith.constant 32 : i32
    %dma_wait3A = arith.constant 0 : i32
    %dma_wait3A_7 = arith.constant 0 : i32
    %dma_wait3A_8 = arith.constant 0 : i32
    %dma_wait3A_9 = tpu.memref_slice %arg9[%dma_wait3A, %dma_wait3A_7, %dma_wait3A_8] : memref<5x64x128xf32, #tpu.memory_space<vmem>> -> memref<1x64x128xf32, #tpu.memory_space<vmem>>
    %dma_wait3A_10 = tpu.memref_squeeze %dma_wait3A_9 : memref<1x64x128xf32, #tpu.memory_space<vmem>> -> memref<64x128xf32, #tpu.memory_space<vmem>>
    %dma_wait3A_11 = arith.constant 0 : i32
    %dma_wait3A_12 = arith.constant 0 : i32
    %dma_wait3A_13 = tpu.memref_slice %arg3[%dma_wait3A_11, %dma_wait3A_12] : memref<10000x128xf32, #tpu.memory_space<hbm>> -> memref<64x128xf32, #tpu.memory_space<hbm>>
    %dma_wait3A_14 = arith.constant 0 : i32
    %dma_wait3A_15 = arith.constant 0 : i32
    %dma_wait3A_16 = tpu.memref_slice %arg9[%dma_wait3A, %dma_wait3A_14, %dma_wait3A_15] : memref<5x64x128xf32, #tpu.memory_space<vmem>> -> memref<1x64x128xf32, #tpu.memory_space<vmem>>
    %dma_wait3A_17 = tpu.memref_squeeze %dma_wait3A_16 : memref<1x64x128xf32, #tpu.memory_space<vmem>> -> memref<64x128xf32, #tpu.memory_space<vmem>>
    %dma_wait3A_18 = arith.constant 0 : i32
    %dma_wait3A_19 = arith.constant 0 : i32
    %dma_wait3A_20 = tpu.memref_slice %arg3[%dma_wait3A_18, %dma_wait3A_19] : memref<10000x128xf32, #tpu.memory_space<hbm>> -> memref<64x128xf32, #tpu.memory_space<hbm>>
    tpu.wait_dma2 semaphore(%arg20 : memref<!tpu.dma_semaphore, #tpu.memory_space<semaphore_mem>>) src(%dma_wait3A_20 : memref<64x128xf32, #tpu.memory_space<hbm>>) dst(%dma_wait3A_17 : memref<64x128xf32, #tpu.memory_space<vmem>>)
    %dma_wait3A_21 = arith.constant 0 : i32
    %dma_wait3A_22 = arith.constant 0 : i32
    %dma_wait3A_23 = arith.constant 4 : i32
    %dma_wait3A_24 = arith.constant 0 : i32
    %dma_wait3A_25 = tpu.memref_slice %arg7[%dma_wait3A_23, %dma_wait3A_24] : memref<5x64xi32, #tpu.memory_space<vmem>> -> memref<1x64xi32, #tpu.memory_space<vmem>>
    %dma_wait3A_26 = tpu.memref_squeeze %dma_wait3A_25 : memref<1x64xi32, #tpu.memory_space<vmem>> -> memref<64xi32, #tpu.memory_space<vmem>>
    %dma_wait3A_27 = arith.constant 0 : i32
    %dma_wait3A_28 = tpu.memref_slice %arg2[%dma_wait3A_21, %dma_wait3A_22, %dma_wait3A_27] : memref<2x5120x64xi32, #tpu.memory_space<hbm>> -> memref<1x1x64xi32, #tpu.memory_space<hbm>>
    %dma_wait3A_29 = tpu.memref_squeeze %dma_wait3A_28 : memref<1x1x64xi32, #tpu.memory_space<hbm>> -> memref<64xi32, #tpu.memory_space<hbm>>
    %dma_wait3A_30 = arith.constant 0 : i32
    %dma_wait3A_31 = tpu.memref_slice %arg7[%dma_wait3A_23, %dma_wait3A_30] : memref<5x64xi32, #tpu.memory_space<vmem>> -> memref<1x64xi32, #tpu.memory_space<vmem>>
    %dma_wait3A_32 = tpu.memref_squeeze %dma_wait3A_31 : memref<1x64xi32, #tpu.memory_space<vmem>> -> memref<64xi32, #tpu.memory_space<vmem>>
    %dma_wait3A_33 = arith.constant 0 : i32
    %dma_wait3A_34 = tpu.memref_slice %arg2[%dma_wait3A_21, %dma_wait3A_22, %dma_wait3A_33] : memref<2x5120x64xi32, #tpu.memory_space<hbm>> -> memref<1x1x64xi32, #tpu.memory_space<hbm>>
    %dma_wait3A_35 = tpu.memref_squeeze %dma_wait3A_34 : memref<1x1x64xi32, #tpu.memory_space<hbm>> -> memref<64xi32, #tpu.memory_space<hbm>>
    tpu.wait_dma2 semaphore(%arg14 : memref<!tpu.dma_semaphore, #tpu.memory_space<semaphore_mem>>) src(%dma_wait3A_35 : memref<64xi32, #tpu.memory_space<hbm>>) dst(%dma_wait3A_32 : memref<64xi32, #tpu.memory_space<vmem>>)
    %dma_wait3A_36 = arith.constant 1 : i32
    %dma_wait3A_37 = arith.constant 0 : i32
    %dma_wait3A_38 = arith.constant 4 : i32
    %dma_wait3A_39 = arith.constant 0 : i32
    %dma_wait3A_40 = tpu.memref_slice %arg8[%dma_wait3A_38, %dma_wait3A_39] : memref<5x64xi32, #tpu.memory_space<vmem>> -> memref<1x64xi32, #tpu.memory_space<vmem>>
    %dma_wait3A_41 = tpu.memref_squeeze %dma_wait3A_40 : memref<1x64xi32, #tpu.memory_space<vmem>> -> memref<64xi32, #tpu.memory_space<vmem>>
    %dma_wait3A_42 = arith.constant 0 : i32
    %dma_wait3A_43 = tpu.memref_slice %arg2[%dma_wait3A_36, %dma_wait3A_37, %dma_wait3A_42] : memref<2x5120x64xi32, #tpu.memory_space<hbm>> -> memref<1x1x64xi32, #tpu.memory_space<hbm>>
    %dma_wait3A_44 = tpu.memref_squeeze %dma_wait3A_43 : memref<1x1x64xi32, #tpu.memory_space<hbm>> -> memref<64xi32, #tpu.memory_space<hbm>>
    %dma_wait3A_45 = arith.constant 0 : i32
    %dma_wait3A_46 = tpu.memref_slice %arg8[%dma_wait3A_38, %dma_wait3A_45] : memref<5x64xi32, #tpu.memory_space<vmem>> -> memref<1x64xi32, #tpu.memory_space<vmem>>
    %dma_wait3A_47 = tpu.memref_squeeze %dma_wait3A_46 : memref<1x64xi32, #tpu.memory_space<vmem>> -> memref<64xi32, #tpu.memory_space<vmem>>
    %dma_wait3A_48 = arith.constant 0 : i32
    %dma_wait3A_49 = tpu.memref_slice %arg2[%dma_wait3A_36, %dma_wait3A_37, %dma_wait3A_48] : memref<2x5120x64xi32, #tpu.memory_space<hbm>> -> memref<1x1x64xi32, #tpu.memory_space<hbm>>
    %dma_wait3A_50 = tpu.memref_squeeze %dma_wait3A_49 : memref<1x1x64xi32, #tpu.memory_space<hbm>> -> memref<64xi32, #tpu.memory_space<hbm>>
    tpu.wait_dma2 semaphore(%arg14 : memref<!tpu.dma_semaphore, #tpu.memory_space<semaphore_mem>>) src(%dma_wait3A_50 : memref<64xi32, #tpu.memory_space<hbm>>) dst(%dma_wait3A_47 : memref<64xi32, #tpu.memory_space<vmem>>)
    %dma_start3A = arith.constant 4 : i32
    %dma_start3A_51 = arith.constant 4 : i32
    %dma_start3A_52 = arith.constant 0 : i32
    %dma_start3A_53 = arith.constant 0 : i32
    %dma_start3A_54 = tpu.memref_slice %arg9[%dma_start3A_51, %dma_start3A_52, %dma_start3A_53] : memref<5x64x128xf32, #tpu.memory_space<vmem>> -> memref<1x64x128xf32, #tpu.memory_space<vmem>>
    %dma_start3A_55 = tpu.memref_squeeze %dma_start3A_54 : memref<1x64x128xf32, #tpu.memory_space<vmem>> -> memref<64x128xf32, #tpu.memory_space<vmem>>
    %dma_start3A_56 = arith.constant 0 : i32
    %dma_start3A_57 = tpu.memref_slice %arg7[%dma_start3A, %dma_start3A_56] : memref<5x64xi32, #tpu.memory_space<vmem>> -> memref<1x64xi32, #tpu.memory_space<vmem>>
    %dma_start3A_58 = tpu.memref_squeeze %dma_start3A_57 : memref<1x64xi32, #tpu.memory_space<vmem>> -> memref<64xi32, #tpu.memory_space<vmem>>
    %dma_start3A_59 = arith.constant 0 : i32
    %dma_start3A_60 = arith.constant 0 : i32
    %dma_start3A_61 = tpu.memref_slice %arg3[%dma_start3A_59, %dma_start3A_60] : memref<10000x128xf32, #tpu.memory_space<hbm>> -> memref<10000x128xf32, #tpu.memory_space<hbm>>
    tpu.enqueue_indirect_dma source(%dma_start3A_61 : memref<10000x128xf32, #tpu.memory_space<hbm>>) target(%dma_start3A_55 : memref<64x128xf32, #tpu.memory_space<vmem>>) offsets(%dma_start3A_58 : memref<64xi32, #tpu.memory_space<vmem>>) semaphore(%arg19 : memref<!tpu.dma_semaphore, #tpu.memory_space<semaphore_mem>>)
    %dma_wait3A_62 = arith.constant 2 : i32
    %dma_wait3A_63 = arith.constant 0 : i32
    %dma_wait3A_64 = arith.constant 0 : i32
    %dma_wait3A_65 = tpu.memref_slice %arg9[%dma_wait3A_62, %dma_wait3A_63, %dma_wait3A_64] : memref<5x64x128xf32, #tpu.memory_space<vmem>> -> memref<1x64x128xf32, #tpu.memory_space<vmem>>
    %dma_wait3A_66 = tpu.memref_squeeze %dma_wait3A_65 : memref<1x64x128xf32, #tpu.memory_space<vmem>> -> memref<64x128xf32, #tpu.memory_space<vmem>>
    %dma_wait3A_67 = arith.constant 0 : i32
    %dma_wait3A_68 = arith.constant 0 : i32
    %dma_wait3A_69 = tpu.memref_slice %arg3[%dma_wait3A_67, %dma_wait3A_68] : memref<10000x128xf32, #tpu.memory_space<hbm>> -> memref<64x128xf32, #tpu.memory_space<hbm>>
    %dma_wait3A_70 = arith.constant 0 : i32
    %dma_wait3A_71 = arith.constant 0 : i32
    %dma_wait3A_72 = tpu.memref_slice %arg9[%dma_wait3A_62, %dma_wait3A_70, %dma_wait3A_71] : memref<5x64x128xf32, #tpu.memory_space<vmem>> -> memref<1x64x128xf32, #tpu.memory_space<vmem>>
    %dma_wait3A_73 = tpu.memref_squeeze %dma_wait3A_72 : memref<1x64x128xf32, #tpu.memory_space<vmem>> -> memref<64x128xf32, #tpu.memory_space<vmem>>
    %dma_wait3A_74 = arith.constant 0 : i32
    %dma_wait3A_75 = arith.constant 0 : i32
    %dma_wait3A_76 = tpu.memref_slice %arg3[%dma_wait3A_74, %dma_wait3A_75] : memref<10000x128xf32, #tpu.memory_space<hbm>> -> memref<64x128xf32, #tpu.memory_space<hbm>>
    tpu.wait_dma2 semaphore(%arg17 : memref<!tpu.dma_semaphore, #tpu.memory_space<semaphore_mem>>) src(%dma_wait3A_76 : memref<64x128xf32, #tpu.memory_space<hbm>>) dst(%dma_wait3A_73 : memref<64x128xf32, #tpu.memory_space<vmem>>)
    %dma_start3A_77 = arith.constant 2 : i32
    %dma_start3A_78 = arith.constant 2 : i32
    %dma_start3A_79 = arith.constant 0 : i32
    %dma_start3A_80 = arith.constant 0 : i32
    %dma_start3A_81 = tpu.memref_slice %arg9[%dma_start3A_77, %dma_start3A_79, %dma_start3A_80] : memref<5x64x128xf32, #tpu.memory_space<vmem>> -> memref<1x64x128xf32, #tpu.memory_space<vmem>>
    %dma_start3A_82 = tpu.memref_squeeze %dma_start3A_81 : memref<1x64x128xf32, #tpu.memory_space<vmem>> -> memref<64x128xf32, #tpu.memory_space<vmem>>
    %dma_start3A_83 = arith.constant 0 : i32
    %dma_start3A_84 = tpu.memref_slice %arg8[%dma_start3A_78, %dma_start3A_83] : memref<5x64xi32, #tpu.memory_space<vmem>> -> memref<1x64xi32, #tpu.memory_space<vmem>>
    %dma_start3A_85 = tpu.memref_squeeze %dma_start3A_84 : memref<1x64xi32, #tpu.memory_space<vmem>> -> memref<64xi32, #tpu.memory_space<vmem>>
    %dma_start3A_86 = arith.constant 0 : i32
    %dma_start3A_87 = arith.constant 0 : i32
    %dma_start3A_88 = tpu.memref_slice %arg6[%dma_start3A_86, %dma_start3A_87] : memref<10240x128xf32, #tpu.memory_space<vmem_shared>> -> memref<10240x128xf32, #tpu.memory_space<vmem_shared>>
    tpu.enqueue_indirect_dma source(%dma_start3A_82 : memref<64x128xf32, #tpu.memory_space<vmem>>) target(%dma_start3A_88 : memref<10240x128xf32, #tpu.memory_space<vmem_shared>>) offsets(%dma_start3A_85 : memref<64xi32, #tpu.memory_space<vmem>>) semaphore(%arg22 : memref<!tpu.dma_semaphore, #tpu.memory_space<semaphore_mem>>) {add = true}
    %dma_wait3A_89 = arith.constant 3 : i32
    %dma_wait3A_90 = arith.constant 0 : i32
    %dma_wait3A_91 = arith.constant 0 : i32
    %dma_wait3A_92 = tpu.memref_slice %arg9[%dma_wait3A_89, %dma_wait3A_90, %dma_wait3A_91] : memref<5x64x128xf32, #tpu.memory_space<vmem>> -> memref<1x64x128xf32, #tpu.memory_space<vmem>>
    %dma_wait3A_93 = tpu.memref_squeeze %dma_wait3A_92 : memref<1x64x128xf32, #tpu.memory_space<vmem>> -> memref<64x128xf32, #tpu.memory_space<vmem>>
    %dma_wait3A_94 = arith.constant 0 : i32
    %dma_wait3A_95 = arith.constant 0 : i32
    %dma_wait3A_96 = tpu.memref_slice %arg3[%dma_wait3A_94, %dma_wait3A_95] : memref<10000x128xf32, #tpu.memory_space<hbm>> -> memref<64x128xf32, #tpu.memory_space<hbm>>
    %dma_wait3A_97 = arith.constant 0 : i32
    %dma_wait3A_98 = arith.constant 0 : i32
    %dma_wait3A_99 = tpu.memref_slice %arg9[%dma_wait3A_89, %dma_wait3A_97, %dma_wait3A_98] : memref<5x64x128xf32, #tpu.memory_space<vmem>> -> memref<1x64x128xf32, #tpu.memory_space<vmem>>
    %dma_wait3A_100 = tpu.memref_squeeze %dma_wait3A_99 : memref<1x64x128xf32, #tpu.memory_space<vmem>> -> memref<64x128xf32, #tpu.memory_space<vmem>>
    %dma_wait3A_101 = arith.constant 0 : i32
    %dma_wait3A_102 = arith.constant 0 : i32
    %dma_wait3A_103 = tpu.memref_slice %arg3[%dma_wait3A_101, %dma_wait3A_102] : memref<10000x128xf32, #tpu.memory_space<hbm>> -> memref<64x128xf32, #tpu.memory_space<hbm>>
    tpu.wait_dma2 semaphore(%arg18 : memref<!tpu.dma_semaphore, #tpu.memory_space<semaphore_mem>>) src(%dma_wait3A_103 : memref<64x128xf32, #tpu.memory_space<hbm>>) dst(%dma_wait3A_100 : memref<64x128xf32, #tpu.memory_space<vmem>>)
    %dma_start3A_104 = arith.constant 3 : i32
    %dma_start3A_105 = arith.constant 3 : i32
    %dma_start3A_106 = arith.constant 0 : i32
    %dma_start3A_107 = arith.constant 0 : i32
    %dma_start3A_108 = tpu.memref_slice %arg9[%dma_start3A_104, %dma_start3A_106, %dma_start3A_107] : memref<5x64x128xf32, #tpu.memory_space<vmem>> -> memref<1x64x128xf32, #tpu.memory_space<vmem>>
    %dma_start3A_109 = tpu.memref_squeeze %dma_start3A_108 : memref<1x64x128xf32, #tpu.memory_space<vmem>> -> memref<64x128xf32, #tpu.memory_space<vmem>>
    %dma_start3A_110 = arith.constant 0 : i32
    %dma_start3A_111 = tpu.memref_slice %arg8[%dma_start3A_105, %dma_start3A_110] : memref<5x64xi32, #tpu.memory_space<vmem>> -> memref<1x64xi32, #tpu.memory_space<vmem>>
    %dma_start3A_112 = tpu.memref_squeeze %dma_start3A_111 : memref<1x64xi32, #tpu.memory_space<vmem>> -> memref<64xi32, #tpu.memory_space<vmem>>
    %dma_start3A_113 = arith.constant 0 : i32
    %dma_start3A_114 = arith.constant 0 : i32
    %dma_start3A_115 = tpu.memref_slice %arg6[%dma_start3A_113, %dma_start3A_114] : memref<10240x128xf32, #tpu.memory_space<vmem_shared>> -> memref<10240x128xf32, #tpu.memory_space<vmem_shared>>
    tpu.enqueue_indirect_dma source(%dma_start3A_109 : memref<64x128xf32, #tpu.memory_space<vmem>>) target(%dma_start3A_115 : memref<10240x128xf32, #tpu.memory_space<vmem_shared>>) offsets(%dma_start3A_112 : memref<64xi32, #tpu.memory_space<vmem>>) semaphore(%arg23 : memref<!tpu.dma_semaphore, #tpu.memory_space<semaphore_mem>>) {add = true}
    %dma_wait3A_116 = arith.constant 4 : i32
    %dma_wait3A_117 = arith.constant 0 : i32
    %dma_wait3A_118 = arith.constant 0 : i32
    %dma_wait3A_119 = tpu.memref_slice %arg9[%dma_wait3A_116, %dma_wait3A_117, %dma_wait3A_118] : memref<5x64x128xf32, #tpu.memory_space<vmem>> -> memref<1x64x128xf32, #tpu.memory_space<vmem>>
    %dma_wait3A_120 = tpu.memref_squeeze %dma_wait3A_119 : memref<1x64x128xf32, #tpu.memory_space<vmem>> -> memref<64x128xf32, #tpu.memory_space<vmem>>
    %dma_wait3A_121 = arith.constant 0 : i32
    %dma_wait3A_122 = arith.constant 0 : i32
    %dma_wait3A_123 = tpu.memref_slice %arg3[%dma_wait3A_121, %dma_wait3A_122] : memref<10000x128xf32, #tpu.memory_space<hbm>> -> memref<64x128xf32, #tpu.memory_space<hbm>>
    %dma_wait3A_124 = arith.constant 0 : i32
    %dma_wait3A_125 = arith.constant 0 : i32
    %dma_wait3A_126 = tpu.memref_slice %arg9[%dma_wait3A_116, %dma_wait3A_124, %dma_wait3A_125] : memref<5x64x128xf32, #tpu.memory_space<vmem>> -> memref<1x64x128xf32, #tpu.memory_space<vmem>>
    %dma_wait3A_127 = tpu.memref_squeeze %dma_wait3A_126 : memref<1x64x128xf32, #tpu.memory_space<vmem>> -> memref<64x128xf32, #tpu.memory_space<vmem>>
    %dma_wait3A_128 = arith.constant 0 : i32
    %dma_wait3A_129 = arith.constant 0 : i32
    %dma_wait3A_130 = tpu.memref_slice %arg3[%dma_wait3A_128, %dma_wait3A_129] : memref<10000x128xf32, #tpu.memory_space<hbm>> -> memref<64x128xf32, #tpu.memory_space<hbm>>
    tpu.wait_dma2 semaphore(%arg19 : memref<!tpu.dma_semaphore, #tpu.memory_space<semaphore_mem>>) src(%dma_wait3A_130 : memref<64x128xf32, #tpu.memory_space<hbm>>) dst(%dma_wait3A_127 : memref<64x128xf32, #tpu.memory_space<vmem>>)
    %dma_start3A_131 = arith.constant 4 : i32
    %dma_start3A_132 = arith.constant 4 : i32
    %dma_start3A_133 = arith.constant 0 : i32
    %dma_start3A_134 = arith.constant 0 : i32
    %dma_start3A_135 = tpu.memref_slice %arg9[%dma_start3A_131, %dma_start3A_133, %dma_start3A_134] : memref<5x64x128xf32, #tpu.memory_space<vmem>> -> memref<1x64x128xf32, #tpu.memory_space<vmem>>
    %dma_start3A_136 = tpu.memref_squeeze %dma_start3A_135 : memref<1x64x128xf32, #tpu.memory_space<vmem>> -> memref<64x128xf32, #tpu.memory_space<vmem>>
    %dma_start3A_137 = arith.constant 0 : i32
    %dma_start3A_138 = tpu.memref_slice %arg8[%dma_start3A_132, %dma_start3A_137] : memref<5x64xi32, #tpu.memory_space<vmem>> -> memref<1x64xi32, #tpu.memory_space<vmem>>
    %dma_start3A_139 = tpu.memref_squeeze %dma_start3A_138 : memref<1x64xi32, #tpu.memory_space<vmem>> -> memref<64xi32, #tpu.memory_space<vmem>>
    %dma_start3A_140 = arith.constant 0 : i32
    %dma_start3A_141 = arith.constant 0 : i32
    %dma_start3A_142 = tpu.memref_slice %arg6[%dma_start3A_140, %dma_start3A_141] : memref<10240x128xf32, #tpu.memory_space<vmem_shared>> -> memref<10240x128xf32, #tpu.memory_space<vmem_shared>>
    tpu.enqueue_indirect_dma source(%dma_start3A_136 : memref<64x128xf32, #tpu.memory_space<vmem>>) target(%dma_start3A_142 : memref<10240x128xf32, #tpu.memory_space<vmem_shared>>) offsets(%dma_start3A_139 : memref<64xi32, #tpu.memory_space<vmem>>) semaphore(%arg24 : memref<!tpu.dma_semaphore, #tpu.memory_space<semaphore_mem>>) {add = true}
    %dma_wait3A_143 = arith.constant 1 : i32
    %dma_wait3A_144 = arith.constant 0 : i32
    %dma_wait3A_145 = arith.constant 0 : i32
    %dma_wait3A_146 = tpu.memref_slice %arg9[%dma_wait3A_143, %dma_wait3A_144, %dma_wait3A_145] : memref<5x64x128xf32, #tpu.memory_space<vmem>> -> memref<1x64x128xf32, #tpu.memory_space<vmem>>
    %dma_wait3A_147 = tpu.memref_squeeze %dma_wait3A_146 : memref<1x64x128xf32, #tpu.memory_space<vmem>> -> memref<64x128xf32, #tpu.memory_space<vmem>>
    %dma_wait3A_148 = arith.constant 0 : i32
    %dma_wait3A_149 = arith.constant 0 : i32
    %dma_wait3A_150 = tpu.memref_slice %arg3[%dma_wait3A_148, %dma_wait3A_149] : memref<10000x128xf32, #tpu.memory_space<hbm>> -> memref<64x128xf32, #tpu.memory_space<hbm>>
    %dma_wait3A_151 = arith.constant 0 : i32
    %dma_wait3A_152 = arith.constant 0 : i32
    %dma_wait3A_153 = tpu.memref_slice %arg9[%dma_wait3A_143, %dma_wait3A_151, %dma_wait3A_152] : memref<5x64x128xf32, #tpu.memory_space<vmem>> -> memref<1x64x128xf32, #tpu.memory_space<vmem>>
    %dma_wait3A_154 = tpu.memref_squeeze %dma_wait3A_153 : memref<1x64x128xf32, #tpu.memory_space<vmem>> -> memref<64x128xf32, #tpu.memory_space<vmem>>
    %dma_wait3A_155 = arith.constant 0 : i32
    %dma_wait3A_156 = arith.constant 0 : i32
    %dma_wait3A_157 = tpu.memref_slice %arg3[%dma_wait3A_155, %dma_wait3A_156] : memref<10000x128xf32, #tpu.memory_space<hbm>> -> memref<64x128xf32, #tpu.memory_space<hbm>>
    tpu.wait_dma2 semaphore(%arg21 : memref<!tpu.dma_semaphore, #tpu.memory_space<semaphore_mem>>) src(%dma_wait3A_157 : memref<64x128xf32, #tpu.memory_space<hbm>>) dst(%dma_wait3A_154 : memref<64x128xf32, #tpu.memory_space<vmem>>)
    %dma_wait3A_158 = arith.constant 2 : i32
    %dma_wait3A_159 = arith.constant 0 : i32
    %dma_wait3A_160 = arith.constant 0 : i32
    %dma_wait3A_161 = tpu.memref_slice %arg9[%dma_wait3A_158, %dma_wait3A_159, %dma_wait3A_160] : memref<5x64x128xf32, #tpu.memory_space<vmem>> -> memref<1x64x128xf32, #tpu.memory_space<vmem>>
    %dma_wait3A_162 = tpu.memref_squeeze %dma_wait3A_161 : memref<1x64x128xf32, #tpu.memory_space<vmem>> -> memref<64x128xf32, #tpu.memory_space<vmem>>
    %dma_wait3A_163 = arith.constant 0 : i32
    %dma_wait3A_164 = arith.constant 0 : i32
    %dma_wait3A_165 = tpu.memref_slice %arg3[%dma_wait3A_163, %dma_wait3A_164] : memref<10000x128xf32, #tpu.memory_space<hbm>> -> memref<64x128xf32, #tpu.memory_space<hbm>>
    %dma_wait3A_166 = arith.constant 0 : i32
    %dma_wait3A_167 = arith.constant 0 : i32
    %dma_wait3A_168 = tpu.memref_slice %arg9[%dma_wait3A_158, %dma_wait3A_166, %dma_wait3A_167] : memref<5x64x128xf32, #tpu.memory_space<vmem>> -> memref<1x64x128xf32, #tpu.memory_space<vmem>>
    %dma_wait3A_169 = tpu.memref_squeeze %dma_wait3A_168 : memref<1x64x128xf32, #tpu.memory_space<vmem>> -> memref<64x128xf32, #tpu.memory_space<vmem>>
    %dma_wait3A_170 = arith.constant 0 : i32
    %dma_wait3A_171 = arith.constant 0 : i32
    %dma_wait3A_172 = tpu.memref_slice %arg3[%dma_wait3A_170, %dma_wait3A_171] : memref<10000x128xf32, #tpu.memory_space<hbm>> -> memref<64x128xf32, #tpu.memory_space<hbm>>
    tpu.wait_dma2 semaphore(%arg22 : memref<!tpu.dma_semaphore, #tpu.memory_space<semaphore_mem>>) src(%dma_wait3A_172 : memref<64x128xf32, #tpu.memory_space<hbm>>) dst(%dma_wait3A_169 : memref<64x128xf32, #tpu.memory_space<vmem>>)
    %dma_wait3A_173 = arith.constant 3 : i32
    %dma_wait3A_174 = arith.constant 0 : i32
    %dma_wait3A_175 = arith.constant 0 : i32
    %dma_wait3A_176 = tpu.memref_slice %arg9[%dma_wait3A_173, %dma_wait3A_174, %dma_wait3A_175] : memref<5x64x128xf32, #tpu.memory_space<vmem>> -> memref<1x64x128xf32, #tpu.memory_space<vmem>>
    %dma_wait3A_177 = tpu.memref_squeeze %dma_wait3A_176 : memref<1x64x128xf32, #tpu.memory_space<vmem>> -> memref<64x128xf32, #tpu.memory_space<vmem>>
    %dma_wait3A_178 = arith.constant 0 : i32
    %dma_wait3A_179 = arith.constant 0 : i32
    %dma_wait3A_180 = tpu.memref_slice %arg3[%dma_wait3A_178, %dma_wait3A_179] : memref<10000x128xf32, #tpu.memory_space<hbm>> -> memref<64x128xf32, #tpu.memory_space<hbm>>
    %dma_wait3A_181 = arith.constant 0 : i32
    %dma_wait3A_182 = arith.constant 0 : i32
    %dma_wait3A_183 = tpu.memref_slice %arg9[%dma_wait3A_173, %dma_wait3A_181, %dma_wait3A_182] : memref<5x64x128xf32, #tpu.memory_space<vmem>> -> memref<1x64x128xf32, #tpu.memory_space<vmem>>
    %dma_wait3A_184 = tpu.memref_squeeze %dma_wait3A_183 : memref<1x64x128xf32, #tpu.memory_space<vmem>> -> memref<64x128xf32, #tpu.memory_space<vmem>>
    %dma_wait3A_185 = arith.constant 0 : i32
    %dma_wait3A_186 = arith.constant 0 : i32
    %dma_wait3A_187 = tpu.memref_slice %arg3[%dma_wait3A_185, %dma_wait3A_186] : memref<10000x128xf32, #tpu.memory_space<hbm>> -> memref<64x128xf32, #tpu.memory_space<hbm>>
    tpu.wait_dma2 semaphore(%arg23 : memref<!tpu.dma_semaphore, #tpu.memory_space<semaphore_mem>>) src(%dma_wait3A_187 : memref<64x128xf32, #tpu.memory_space<hbm>>) dst(%dma_wait3A_184 : memref<64x128xf32, #tpu.memory_space<vmem>>)
    %dma_wait3A_188 = arith.constant 4 : i32
    %dma_wait3A_189 = arith.constant 0 : i32
    %dma_wait3A_190 = arith.constant 0 : i32
    %dma_wait3A_191 = tpu.memref_slice %arg9[%dma_wait3A_188, %dma_wait3A_189, %dma_wait3A_190] : memref<5x64x128xf32, #tpu.memory_space<vmem>> -> memref<1x64x128xf32, #tpu.memory_space<vmem>>
    %dma_wait3A_192 = tpu.memref_squeeze %dma_wait3A_191 : memref<1x64x128xf32, #tpu.memory_space<vmem>> -> memref<64x128xf32, #tpu.memory_space<vmem>>
    %dma_wait3A_193 = arith.constant 0 : i32
    %dma_wait3A_194 = arith.constant 0 : i32
    %dma_wait3A_195 = tpu.memref_slice %arg3[%dma_wait3A_193, %dma_wait3A_194] : memref<10000x128xf32, #tpu.memory_space<hbm>> -> memref<64x128xf32, #tpu.memory_space<hbm>>
    %dma_wait3A_196 = arith.constant 0 : i32
    %dma_wait3A_197 = arith.constant 0 : i32
    %dma_wait3A_198 = tpu.memref_slice %arg9[%dma_wait3A_188, %dma_wait3A_196, %dma_wait3A_197] : memref<5x64x128xf32, #tpu.memory_space<vmem>> -> memref<1x64x128xf32, #tpu.memory_space<vmem>>
    %dma_wait3A_199 = tpu.memref_squeeze %dma_wait3A_198 : memref<1x64x128xf32, #tpu.memory_space<vmem>> -> memref<64x128xf32, #tpu.memory_space<vmem>>
    %dma_wait3A_200 = arith.constant 0 : i32
    %dma_wait3A_201 = arith.constant 0 : i32
    %dma_wait3A_202 = tpu.memref_slice %arg3[%dma_wait3A_200, %dma_wait3A_201] : memref<10000x128xf32, #tpu.memory_space<hbm>> -> memref<64x128xf32, #tpu.memory_space<hbm>>
    tpu.wait_dma2 semaphore(%arg24 : memref<!tpu.dma_semaphore, #tpu.memory_space<semaphore_mem>>) src(%dma_wait3A_202 : memref<64x128xf32, #tpu.memory_space<hbm>>) dst(%dma_wait3A_199 : memref<64x128xf32, #tpu.memory_space<vmem>>)
    %barrier3A_203 = arith.constant 0 : index
    tpu.barrier barrier_id(%barrier3A_203)
    %mul3A_204 = arith.constant 640 : i32
    %mul3A_205 = arith.muli %arg1, %mul3A_204 : i32
    %mul3A_206 = arith.constant 640 : i32
    %mul3A_207 = arith.muli %arg1, %mul3A_206 : i32
    "tpu.region"() ({
      %run_scoped3A = tpu.sem_alloc : memref<!tpu.dma_semaphore, #tpu.memory_space<semaphore_mem>>
      %dma_start3A_208 = arith.constant 0 : i32
      %dma_start3A_209 = tpu.memref_slice %arg5[%arg0, %mul3A_207, %dma_start3A_208] : memref<2x10240x128xf32, #tpu.memory_space<hbm>> -> memref<1x640x128xf32, #tpu.memory_space<hbm>>
      %dma_start3A_210 = tpu.memref_squeeze %dma_start3A_209 : memref<1x640x128xf32, #tpu.memory_space<hbm>> -> memref<640x128xf32, #tpu.memory_space<hbm>>
      %dma_start3A_211 = arith.constant 0 : i32
      %dma_start3A_212 = tpu.memref_slice %arg6[%mul3A_205, %dma_start3A_211] : memref<10240x128xf32, #tpu.memory_space<vmem_shared>> -> memref<640x128xf32, #tpu.memory_space<vmem_shared>>
      tpu.enqueue_dma source(%dma_start3A_212 : memref<640x128xf32, #tpu.memory_space<vmem_shared>>) target(%dma_start3A_210 : memref<640x128xf32, #tpu.memory_space<hbm>>) target_semaphore(%run_scoped3A : memref<!tpu.dma_semaphore, #tpu.memory_space<semaphore_mem>>)
      %dma_wait3A_213 = arith.constant 0 : i32
      %dma_wait3A_214 = tpu.memref_slice %arg5[%arg0, %mul3A_207, %dma_wait3A_213] : memref<2x10240x128xf32, #tpu.memory_space<hbm>> -> memref<1x640x128xf32, #tpu.memory_space<hbm>>
      %dma_wait3A_215 = tpu.memref_squeeze %dma_wait3A_214 : memref<1x640x128xf32, #tpu.memory_space<hbm>> -> memref<640x128xf32, #tpu.memory_space<hbm>>
      %dma_wait3A_216 = arith.constant 0 : i32
      %dma_wait3A_217 = tpu.memref_slice %arg6[%mul3A_205, %dma_wait3A_216] : memref<10240x128xf32, #tpu.memory_space<vmem_shared>> -> memref<640x128xf32, #tpu.memory_space<vmem_shared>>
      tpu.wait_dma2 semaphore(%run_scoped3A : memref<!tpu.dma_semaphore, #tpu.memory_space<semaphore_mem>>) src(%dma_wait3A_217 : memref<640x128xf32, #tpu.memory_space<vmem_shared>>) dst(%dma_wait3A_215 : memref<640x128xf32, #tpu.memory_space<hbm>>)
      tpu.yield
    }) : () -> ()
    return
  }
}

module attributes {stable_mosaic.version = 14 : i64} {
  func.func @_prescale_body(%arg0: i32, %arg1: memref<2x1000x8xf32, #tpu.memory_space<vmem>>, %arg2: memref<1000x128xf32, #tpu.memory_space<vmem>>, %arg3: memref<1000x128xf32, #tpu.memory_space<vmem>>) attributes {dimension_semantics = [#tpu.dimension_semantics<arbitrary>], iteration_bounds = array<i64: 10>, scalar_prefetch = 0 : i64, scratch_operands = 0 : i64, tpu.core_type = #tpu.core_type<tc>, window_params = [{transform_indices = @transform_0, window_bounds = array<i64: 2, 1000, 8>}, {transform_indices = @transform_1, window_bounds = array<i64: 1000, 128>}, {transform_indices = @transform_2, window_bounds = array<i64: 1000, 128>}]} {
    %get3A = arith.constant 0 : index
    %get3A_0 = arith.constant 0 : index
    %get3A_1 = arith.constant 0 : index
    %get3A_2 = vector.load %arg1[%get3A, %get3A_0, %get3A_1] : memref<2x1000x8xf32, #tpu.memory_space<vmem>>, vector<1x1000x1xf32>
    %get3A_3 = vector.shape_cast %get3A_2 : vector<1x1000x1xf32> to vector<1000x1xf32>
    %get3A_4 = arith.constant 1 : index
    %get3A_5 = arith.constant 0 : index
    %get3A_6 = arith.constant 0 : index
    %get3A_7 = vector.load %arg1[%get3A_4, %get3A_5, %get3A_6] : memref<2x1000x8xf32, #tpu.memory_space<vmem>>, vector<1x1000x1xf32>
    %get3A_8 = vector.shape_cast %get3A_7 : vector<1x1000x1xf32> to vector<1000x1xf32>
    %add3A = arith.addf %get3A_3, %get3A_8 : vector<1000x1xf32>
    %gt3A = arith.constant 0.000000e+00 : f32
    %gt3A_9 = vector.broadcast %gt3A : f32 to vector<1000x1xf32>
    %gt3A_10 = arith.cmpf ogt, %add3A, %gt3A_9 : vector<1000x1xf32>
    %rsqrt3A = math.rsqrt %add3A : vector<1000x1xf32>
    %jit3A = arith.constant 0.000000e+00 : f32
    %broadcast_in_dim3A = vector.broadcast %jit3A : f32 to vector<1000x1xf32>
    %select_n3A = arith.select %gt3A_10, %rsqrt3A, %broadcast_in_dim3A : vector<1000x1xi1>, vector<1000x1xf32>
    %get3A_11 = arith.constant 0 : index
    %get3A_12 = arith.constant 0 : index
    %get3A_13 = vector.load %arg2[%get3A_11, %get3A_12] : memref<1000x128xf32, #tpu.memory_space<vmem>>, vector<1000x128xf32>
    %mul3A = vector.broadcast %select_n3A : vector<1000x1xf32> to vector<1000x128xf32>
    %mul3A_14 = arith.mulf %get3A_13, %mul3A : vector<1000x128xf32>
    %swap3A = arith.constant 0 : index
    %swap3A_15 = arith.constant 0 : index
    %swap3A_16 = vector.load %arg3[%swap3A, %swap3A_15] : memref<1000x128xf32, #tpu.memory_space<vmem>>, vector<1000x128xf32>
    tpu.vector_store %arg3[%swap3A, %swap3A_15], %mul3A_14 {strides = array<i32>} : memref<1000x128xf32, #tpu.memory_space<vmem>>, vector<1000x128xf32>,
    return
  }
  func.func @transform_0(%arg0: i32) -> (i32, i32, i32) {
    %c0_i32 = arith.constant 0 : i32
    %c0_i32_0 = arith.constant 0 : i32
    %c0_i32_1 = arith.constant 0 : i32
    return %c0_i32, %arg0, %c0_i32_0 : i32, i32, i32
  }
  func.func @transform_1(%arg0: i32) -> (i32, i32) {
    %c0_i32 = arith.constant 0 : i32
    %c0_i32_0 = arith.constant 0 : i32
    return %arg0, %c0_i32 : i32, i32
  }
  func.func @transform_2(%arg0: i32) -> (i32, i32) {
    %c0_i32 = arith.constant 0 : i32
    %c0_i32_0 = arith.constant 0 : i32
    return %arg0, %c0_i32 : i32, i32
  }
}

module attributes {stable_mosaic.version = 14 : i64} {
  func.func @_final_body(%arg0: i32, %arg1: memref<2x1000x8xf32, #tpu.memory_space<vmem>>, %arg2: memref<2x1000x128xf32, #tpu.memory_space<vmem>>, %arg3: memref<128x128xf32, #tpu.memory_space<vmem>>, %arg4: memref<1x128xf32, #tpu.memory_space<vmem>>, %arg5: memref<1000x128xf32, #tpu.memory_space<vmem>>) attributes {dimension_semantics = [#tpu.dimension_semantics<arbitrary>], iteration_bounds = array<i64: 10>, scalar_prefetch = 0 : i64, scratch_operands = 0 : i64, tpu.core_type = #tpu.core_type<tc>, window_params = [{transform_indices = @transform_0, window_bounds = array<i64: 2, 1000, 8>}, {transform_indices = @transform_1, window_bounds = array<i64: 2, 1000, 128>}, {pipeline_mode = #tpu.pipeline_mode<synchronous>, transform_indices = @transform_2, window_bounds = array<i64: 128, 128>}, {pipeline_mode = #tpu.pipeline_mode<synchronous>, transform_indices = @transform_3, window_bounds = array<i64: 1, 128>}, {transform_indices = @transform_4, window_bounds = array<i64: 1000, 128>}]} {
    %get3A = arith.constant 0 : index
    %get3A_0 = arith.constant 0 : index
    %get3A_1 = arith.constant 0 : index
    %get3A_2 = vector.load %arg1[%get3A, %get3A_0, %get3A_1] : memref<2x1000x8xf32, #tpu.memory_space<vmem>>, vector<1x1000x1xf32>
    %get3A_3 = vector.shape_cast %get3A_2 : vector<1x1000x1xf32> to vector<1000x1xf32>
    %get3A_4 = arith.constant 1 : index
    %get3A_5 = arith.constant 0 : index
    %get3A_6 = arith.constant 0 : index
    %get3A_7 = vector.load %arg1[%get3A_4, %get3A_5, %get3A_6] : memref<2x1000x8xf32, #tpu.memory_space<vmem>>, vector<1x1000x1xf32>
    %get3A_8 = vector.shape_cast %get3A_7 : vector<1x1000x1xf32> to vector<1000x1xf32>
    %add3A = arith.addf %get3A_3, %get3A_8 : vector<1000x1xf32>
    %gt3A = arith.constant 0.000000e+00 : f32
    %gt3A_9 = vector.broadcast %gt3A : f32 to vector<1000x1xf32>
    %gt3A_10 = arith.cmpf ogt, %add3A, %gt3A_9 : vector<1000x1xf32>
    %rsqrt3A = math.rsqrt %add3A : vector<1000x1xf32>
    %jit3A = arith.constant 0.000000e+00 : f32
    %broadcast_in_dim3A = vector.broadcast %jit3A : f32 to vector<1000x1xf32>
    %select_n3A = arith.select %gt3A_10, %rsqrt3A, %broadcast_in_dim3A : vector<1000x1xi1>, vector<1000x1xf32>
    %get3A_11 = arith.constant 0 : index
    %get3A_12 = arith.constant 0 : index
    %get3A_13 = arith.constant 0 : index
    %get3A_14 = vector.load %arg2[%get3A_11, %get3A_12, %get3A_13] : memref<2x1000x128xf32, #tpu.memory_space<vmem>>, vector<1x1000x128xf32>
    %get3A_15 = vector.shape_cast %get3A_14 : vector<1x1000x128xf32> to vector<1000x128xf32>
    %get3A_16 = arith.constant 1 : index
    %get3A_17 = arith.constant 0 : index
    %get3A_18 = arith.constant 0 : index
    %get3A_19 = vector.load %arg2[%get3A_16, %get3A_17, %get3A_18] : memref<2x1000x128xf32, #tpu.memory_space<vmem>>, vector<1x1000x128xf32>
    %get3A_20 = vector.shape_cast %get3A_19 : vector<1x1000x128xf32> to vector<1000x128xf32>
    %add3A_21 = arith.addf %get3A_15, %get3A_20 : vector<1000x128xf32>
    %mul3A = vector.broadcast %select_n3A : vector<1000x1xf32> to vector<1000x128xf32>
    %mul3A_22 = arith.mulf %add3A_21, %mul3A : vector<1000x128xf32>
    %get3A_23 = arith.constant 0 : index
    %get3A_24 = arith.constant 0 : index
    %get3A_25 = vector.load %arg3[%get3A_23, %get3A_24] : memref<128x128xf32, #tpu.memory_space<vmem>>, vector<128x128xf32>
    %dot_general3A = arith.constant dense<0.000000e+00> : vector<1000x128xf32>
    %dot_general3A_26 = tpu.matmul %mul3A_22, %get3A_25, %dot_general3A {dimension_numbers = #tpu.dot_dimension_numbers<[1], [1], [0], [0], [0, 0, 1, 0], [], []>, transpose_lhs_hint = false} : vector<1000x128xf32>, vector<128x128xf32>, vector<1000x128xf32> -> vector<1000x128xf32>
    %get3A_27 = arith.constant 0 : index
    %get3A_28 = arith.constant 0 : index
    %get3A_29 = vector.load %arg4[%get3A_27, %get3A_28] : memref<1x128xf32, #tpu.memory_space<vmem>>, vector<1x128xf32>
    %add3A_30 = vector.broadcast %get3A_29 : vector<1x128xf32> to vector<1000x128xf32>
    %add3A_31 = arith.addf %dot_general3A_26, %add3A_30 : vector<1000x128xf32>
    %swap3A = arith.constant 0 : index
    %swap3A_32 = arith.constant 0 : index
    %swap3A_33 = vector.load %arg5[%swap3A, %swap3A_32] : memref<1000x128xf32, #tpu.memory_space<vmem>>, vector<1000x128xf32>
    tpu.vector_store %arg5[%swap3A, %swap3A_32], %add3A_31 {strides = array<i32>} : memref<1000x128xf32, #tpu.memory_space<vmem>>, vector<1000x128xf32>,
    return
  }
  func.func @transform_0(%arg0: i32) -> (i32, i32, i32) {
    %c0_i32 = arith.constant 0 : i32
    %c0_i32_0 = arith.constant 0 : i32
    %c0_i32_1 = arith.constant 0 : i32
    return %c0_i32, %arg0, %c0_i32_0 : i32, i32, i32
  }
  func.func @transform_1(%arg0: i32) -> (i32, i32, i32) {
    %c0_i32 = arith.constant 0 : i32
    %c0_i32_0 = arith.constant 0 : i32
    %c0_i32_1 = arith.constant 0 : i32
    return %c0_i32, %arg0, %c0_i32_0 : i32, i32, i32
  }
  func.func @transform_2(%arg0: i32) -> (i32, i32) {
    %c0_i32 = arith.constant 0 : i32
    %c0_i32_0 = arith.constant 0 : i32
    %c0_i32_1 = arith.constant 0 : i32
    return %c0_i32, %c0_i32_0 : i32, i32
  }
  func.func @transform_3(%arg0: i32) -> (i32, i32) {
    %c0_i32 = arith.constant 0 : i32
    %c0_i32_0 = arith.constant 0 : i32
    %c0_i32_1 = arith.constant 0 : i32
    return %c0_i32, %c0_i32_0 : i32, i32
  }
  func.func @transform_4(%arg0: i32) -> (i32, i32) {
    %c0_i32 = arith.constant 0 : i32
    %c0_i32_0 = arith.constant 0 : i32
    return %arg0, %c0_i32 : i32, i32
  }
}

</mosaic_0001>

<sc_bundles>
// kernel: kernel.6.cloned.1.call-start
scs
__scs_entry_jumppad:
0x0: {  	(pc) =	sbr.rel $0x88, $3  }
0x1: {  	(tag) =	ssettag $0x0;
	lr =	simm.s32 $0x1  }
0x2: {  	[smem:$0x3F9D] =	sst lr;
	_ =	strace $0xD0000000  }
0x3: {  	_ = 	snop  }
0x4: {  	_ = 	snop  }
0x5: {  	_ = 	snop  }
0x6: {  	_ = 	snop  }
0x7: {  	_ = 	snop  }
__scs_overlays_trampoline_lowered:
0x8: {  	[smem:$0x3FAC] =	sst s0  }
0x9: {  	[smem:$0x3FAD] =	sst s1  }
0xa: {  	[smem:$0x3FAE] =	sst s2  }
0xb: {  	[smem:$0x3FAF] =	sst s3  }
0xc: {  	[smem:$0x3FB0] =	sst s4  }
0xd: {  	[smem:$0x3FB1] =	sst s5  }
0xe: {  	[smem:$0x3FB2] =	sst s6  }
0xf: {  	[smem:$0x3FB3] =	sst s7  }
0x10: {  	[smem:$0x3FB4] =	sst s8  }
0x11: {  	[smem:$0x3FB5] =	sst s9;
	s0 =	simm.s32 @!p0 $0x0  }
0x12: {  	s1 =	sld [smem:$0x3F9B];
	s0 =	simm.s32 @p0 $0x1  }
0x13: {  	[smem:$0x3FB6] =	sst s0;
	s0 =	simm.s32 @!p1 $0x0  }
0x14: {  	s2 =	sld [smem:$0x3F9A];
	s0 =	simm.s32 @p1 $0x1  }
0x15: {  	[smem:$0x3FB7] =	sst s0;
	s0 =	simm.s32 @!p2 $0x0  }
0x16: {  	s3 =	sld [smem:$0x3FDB];
	s0 =	simm.s32 @p2 $0x1  }
0x17: {  	s4 =	simm.s32 $0x1BF5;
	[smem:$0x3FB9] =	sst s0  }
0x18: {  	s0 =	sld [smem:$0x3F9C];
	_ =	swait.ge [sflag:s4], $0x0  }
0x19: {  	s7 =	sld [smem:$0x3F9D]  }
0x1a: {  	s8 =	sadd.s32 $0xFFFFE003, lr  }
0x1b: {  	s9 =	sadd.s32 $0xFFFFFEF7, lr;
	s5 =	simm.s32 $0xFFFFFFFF;
	p2 =	slt.u32 s8, $0xFFFFF086  }
0x1c: {  	p1 =	slt.u32 s9, $0xF7A;
	s5 =	simm.s32 @!p2 $0x0  }
0x1d: {  	s5 =	simm.s32 @p1 $0x1;
	p0 =	seq.s32 s7, s2  }
0x1e: {  	s7 =	smul.u32 @!p0 $0xF7A, s2;
	p2 =	seq.s32 @!p0 s5, $0x0  }
0x1f: {  	s9 =	smul.u32 $0xF7A, s1;
	s8 =	simm.s32 @!p0 $0x1BF5;
	p2 =	por !p2, p0  }
0x20: {  	[sflag:s8] =	ssyncset.s32 @!p0 $0xFFFFF086;
	s6 =	sadd.s32 @!p0 s3, s7;
	s7 =	simm.s32 @!p0 $0x108  }
0x21: {  	s3 =	sadd.s32 s3, s9;
	s6 =	sadd.s32 @!p0 $0x88, s6;
	s7 =	simm.s32 @p2 $0x1082  }
0x22: {  	[simem:s7], [sflag:s8] =	dma.local @!p0 [hbm:s6], $0xF7A  }
0x23: {  	s9 =	sor.u32 $0xD0000000, s2;
	s6 =	simm.s32 $0x108;
	_ =	swait.ge @!p0 [sflag:s8], $0x0  }
0x24: {  	s3 =	sadd.s32 $0x88, s3;
	s6 =	simm.s32 @!p1 $0x1082;
	[sflag:s4] =	ssyncset.s32 $0xFFFFF086  }
0x25: {  	[simem:s6], [sflag:s4] =	dma.local [hbm:s3], $0xF7A  }
0x26: {  	[smem:$0x3F9D] =	sst s1;
	(tag) =	ssettag s2;
	_ =	strace s9  }
0x27: {  	s1 =	sld [smem:$0x3FAD]  }
0x28: {  	s2 =	sld [smem:$0x3FAE]  }
0x29: {  	s4 =	sld [smem:$0x3FB0]  }
0x2a: {  	p0 =	seq.s32 s5, $0x0;
	s5 =	sld [smem:$0x3FB1]  }
0x2b: {  	s6 =	sld [smem:$0x3FB2]  }
0x2c: {  	s7 =	sld [smem:$0x3FB3]  }
0x2d: {  	s3 =	simm.s32 $0x108;
	s8 =	sld [smem:$0x3FB4]  }
0x2e: {  	s3 =	simm.s32 @!p0 $0x1082;
	s9 =	sld [smem:$0x3FB5]  }
0x2f: {  	lr =	sadd.s32 s0, s3;
	s0 =	sld [smem:$0x3FAC]  }
0x30: {  	s3 =	sld [smem:$0x3FAF]  }
0x31: {  	[smem:$0x3FB8] =	sst s10  }
0x32: {  	s10 =	sld [smem:$0x3FB6];
	_ =	sdelay $0x3  }
0x33: {  	p0 =	seq.s32 s10, $0x1;
	s10 =	sld [smem:$0x3FB8];
	_ =	sdelay $0x3  }
0x34: {  	[smem:$0x3FB8] =	sst s10  }
0x35: {  	s10 =	sld [smem:$0x3FB7];
	_ =	sdelay $0x3  }
0x36: {  	p1 =	seq.s32 s10, $0x1;
	s10 =	sld [smem:$0x3FB8];
	_ =	sdelay $0x3  }
0x37: {  	[smem:$0x3FB8] =	sst s10  }
0x38: {  	s10 =	sld [smem:$0x3FB9]  }
0x39: {  	_ = 	snop;
	(pc) =	sbr.ind lr, $3  }
0x3a: {  	_ = 	snop  }
0x3b: {  	_ = 	snop  }
0x3c: {  	p2 =	seq.s32 s10, $0x1;
	s10 =	sld [smem:$0x3FB8]  }
0x3d: {  	_ =	shalt  }
0x3e: {  	_ =	shalt  }
0x3f: {  	_ =	shalt  }
0x40: {  	_ =	shalt  }
0x41: {  	_ =	shalt  }
0x42: {  	_ =	shalt  }
0x43: {  	_ =	shalt  }
0x44: {  	_ =	shalt  }
0x45: {  	_ =	shalt  }
0x46: {  	_ =	shalt  }
0x47: {  	_ =	shalt  }
0x48: {  	_ =	shalt  }
0x49: {  	_ =	shalt  }
0x4a: {  	_ =	shalt  }
0x4b: {  	_ =	shalt  }
0x4c: {  	_ =	shalt  }
0x4d: {  	_ =	shalt  }
0x4e: {  	_ =	shalt  }
0x4f: {  	_ =	shalt  }
0x50: {  	_ =	shalt  }
0x51: {  	_ =	shalt  }
0x52: {  	_ =	shalt  }
0x53: {  	_ =	shalt  }
0x54: {  	_ =	shalt  }
0x55: {  	_ =	shalt  }
0x56: {  	_ =	shalt  }
0x57: {  	_ =	shalt  }
0x58: {  	_ =	shalt  }
0x59: {  	_ =	shalt  }
0x5a: {  	_ =	shalt  }
0x5b: {  	_ =	shalt  }
0x5c: {  	_ =	shalt  }
0x5d: {  	_ =	shalt  }
0x5e: {  	_ =	shalt  }
0x5f: {  	_ =	shalt  }
0x60: {  	_ =	shalt  }
0x61: {  	_ =	shalt  }
0x62: {  	_ =	shalt  }
0x63: {  	_ =	shalt  }
0x64: {  	_ =	shalt  }
0x65: {  	_ =	shalt  }
0x66: {  	_ =	shalt  }
0x67: {  	_ =	shalt  }
0x68: {  	_ =	shalt  }
0x69: {  	_ =	shalt  }
0x6a: {  	_ =	shalt  }
0x6b: {  	_ =	shalt  }
0x6c: {  	_ =	shalt  }
0x6d: {  	_ =	shalt  }
0x6e: {  	_ =	shalt  }
0x6f: {  	_ =	shalt  }
0x70: {  	_ =	shalt  }
0x71: {  	_ =	shalt  }
0x72: {  	_ =	shalt  }
0x73: {  	_ =	shalt  }
0x74: {  	_ =	shalt  }
0x75: {  	_ =	shalt  }
0x76: {  	_ =	shalt  }
0x77: {  	_ =	shalt  }
0x78: {  	_ =	shalt  }
0x79: {  	_ =	shalt  }
0x7a: {  	_ =	shalt  }
0x7b: {  	_ =	shalt  }
0x7c: {  	_ =	shalt  }
0x7d: {  	_ =	shalt  }
0x7e: {  	_ =	shalt  }
0x7f: {  	_ =	shalt  }
0x80: {  	_ =	shalt  }
0x81: {  	_ =	shalt  }
0x82: {  	_ =	shalt  }
0x83: {  	_ =	shalt  }
0x84: {  	_ =	shalt  }
0x85: {  	_ =	shalt  }
0x86: {  	_ =	shalt  }
0x87: {  	_ =	shalt  }
.Lfunc_end0:
.L_simem_size_0:
called_computation_lowered:
.L_overlay_start_0:
0x88: {  	s2 =	sld [smem:$0x3FD9]  }
0x89: {  	s3 =	sld [smem:$0x3FFE];
	_ =	sdelay $0x1  }
0x8a: {  	s1 =	srdreg.scid  }
0x8b: {  	s0 =	sand.u32 $0x1, s1  }
0x8c: {  	s17 =	sshll.u32 s0, $0xA;
	s2 =	sadd.s32 s3, s2  }
0x8d: {  	s2 =	sadd.s32 s2, s17  }
0x8e: {  	[smem:$0x3FC4] =	sst s2  }
0x8f: {  	_ = 	snop  }
0x90: {  	s2 =	sld [smem:$0x3FD0];
	(tm) =	ssettm $0x1  }
0x91: {  	s18 =	sld [smem:$0x3FFB];
	_ =	sdelay $0x3  }
0x92: {  	_ =	strace s18  }
0x93: {  	s3 =	sld [smem:$0x3FFC];
	_ =	sdelay $0x3  }
0x94: {  	_ =	strace s3  }
0x95: {  	s3 =	sld [smem:$0x3FFD];
	_ =	sdelay $0x3  }
0x96: {  	_ =	strace s3  }
0x97: {  	_ =	strace $0x8FFFFFFF  }
0x98: {  	s19 =	sld [smem:$0x3FDB];
	_ =	sdelay $0x1  }
0x99: {  	s4 =	simm.s32 $_scs_section_size  }
0x9a: {  	s5 =	simm.s32 $_size__tile_overlayer_lowered;
	s6 =	simm.s32 $_tile_overlayer_lowered  }
0x9b: {  	s22 =	simm.s32 $0x1BFF;
	s21 =	sshll.u32 s6, $0x1;
	s3 =	sadd.s32 s4, s19  }
0x9c: {  	s7 =	simm.s32 $0x0;
	s20 =	sshll.u32 s5, $0x1;
	s5 =	sadd.s32 s21, s3  }
0x9d: {  	[timem:s7], [sflag:s22] =	dma.local [hbm:s5], s20  }
0x9e: {  	_ =	swait.ge [sflag:s22], s20  }
0x9f: {  	s4 =	ssub.s32 $0x0, s20;
	[sflag:s22] =	ssyncset.done $0x0  }
0xa0: {  	[sflag:s22] =	ssyncadd.s32 s4;
	_ =	sdelay $0x1  }
0xa1: {  	s23 =	simm.s32 $0x1B8B  }
0xa2: {  	_ =	swait.ge [sflag:s23], $0x1  }
0xa3: {  	[sflag:s23] =	ssyncset.done $0x0  }
0xa4: {  	s25 =	simm.s32 $0x1B8E;
	s24 =	sld [smem:$0x3FFE];
	[sflag:s23] =	ssyncadd.s32 $0xFFFFFFFF  }
0xa5: {  	s26 =	simm.s32 $execute0_lowered;
	[smem:$0x3FD2] =	sst s25  }
0xa6: {  	s5 =	sshll.u32 s26, $0x1;
	_ =	strace $0x80000046;
	[dreg:$0x1] =	wrdreg $0xFFFFFFFF  }
0xa7: {  	s28 =	simm.s32 $_size_execute0_lowered;
	s3 =	sadd.s32 s3, s5;
	[dreg:$0x0] =	wrdreg $0x0  }
0xa8: {  	s5 =	sshll.u32 s28, $0x1;
	[dreg:$0x2] =	wrdreg s3  }
0xa9: {  	[dreg:$0x3] =	wrdreg s5  }
0xaa: {  	[dreg:$0x4] =	wrdreg $0xC0  }
0xab: {  	_ =	task [dreg:s7], $0x5FFFF  }
0xac: {  	[dreg:$0x1] =	wrdreg $0xFFFFFFFF  }
0xad: {  	[dreg:$0x0] =	wrdreg $0x60  }
0xae: {  	[dreg:$0x2] =	wrdreg s24  }
0xaf: {  	[dreg:$0x3] =	wrdreg s2  }
0xb0: {  	[dreg:$0x4] =	wrdreg $0x0  }
0xb1: {  	[dreg:$0x5] =	wrdreg $0x9  }
0xb2: {  	_ =	task.clear_ibuf [dreg:s7], $0x6FFFF;
	_ =	strace $0x90000046  }
0xb3: {  	s29 =	simm.s32 $0x9;
	_ =	strace $0x80000048  }
0xb4: {  	_ =	swait.ge [sflag:s29], $0x1  }
0xb5: {  	[sflag:s29] =	ssyncadd.s32 $0xFFFFFFFF  }
0xb6: {  	_ =	strace $0x90000048  }
0xb7: {  	_ =	sfence  }
0xb8: {  	s30 =	sld [smem:$0x0];
	_ =	sdelay $0x2  }
0xb9: {  	s31 =	sshll.u32 s1, $0xD;
	s1 =	sshrl.u32 s1, $0x2  }
0xba: {  	s3 =	sand.u32 $0x4000, s31;
	s1 =	sadd.s32 s1, s30  }
0xbb: {  	s0 =	sor.u32 s3, s0;
	s1 =	sshll.u32 s1, $0x11  }
0xbc: {  	s0 =	sor.u32 s1, s0  }
0xbd: {  	s0 =	sadd.s32 $0x8F2B, s0  }
0xbe: {  	[sflag:s0] =	ssyncadd.remote.s32 $0x1  }
0xbf: {  	_ =	sfence.sel $0xFFFF  }
0xc0: {  	[dreg:$0x0] =	wrdreg $0xFFFFFFFF;
	(pc) =	sbr.abs _section_cstart, $3  }
0xc1: {  	[dreg:$0x1] =	wrdreg $0xFFFFFFFF  }
0xc2: {  	_ =	task.clear_ibuf [dreg:s7], $0x2FFFF;
	_ =	strace $0x9FFFFFFF  }
0xc3: {  	(tm) =	ssettm $0x7FFFFFFF  }
tec
execute0_lowered:
.L_overlay_start_1:
0x0: {  	(tag) =	ssettag $0x1  }
0x1: {  	s6 =	rddreg [dreg:$0x0]  }
0x2: {  	s8 =	rddreg [dreg:$0x1]  }
0x3: {  	s2 =	rddreg [dreg:$0x2];
	s3 =	srdreg.scid  }
0x4: {  	s1 =	stileid.u32;
	s0 =	rddreg [dreg:$0x3];
	s14 =	simm.s32 $0x0  }
0x5: {  	s4 =	sand.u32 $0x1, s3;
	s5 =	sshll.u32 s1, $0x1;
	s7 =	smul.u32 $0xA000, s1  }
0x6: {  	s3 =	simm.s32 $0x0;
	s13 =	smul.u32 $0x1400, s1;
	s31 =	sshll.u32 s1, $0x6  }
0x7: {  	s5 =	sor.u32 s4, s5;
	[smem:$0x7FF] =	sst s3;
	s11 =	smul.u32 $0x14000, s4  }
0x8: {  	s10 =	ssub.s32 $0x2, s4;
	s4 =	sadd.s32 $0x15A00, s6;
	s9 =	smul.u32 $0x2800, s5  }
0x9: {  	_ =	strace $0x80000047;
	s12 =	sshrl.u32 s10, $0x1;
	s7 =	sshrl.u32 s7, $0x2  }
0xa: {  	s5 =	sadd.s32 $0x15800, s6;
	s10 =	ssub.s32 s10, s12;
	s28 =	sadd.s32 s7, s2  }
0xb: {  	s30 =	sadd.s32 s13, s11;
	s11 =	simm.s32 $0x2;
	s12 =	simm.s32 $0x5000  }
0xc: {  	s13 =	simm.s32 $0x1;
	s29 =	sshrl.u32 s9, $0x3;
	s9 =	sshrl.u32 s30, $0x3  }
0xd: {  	s7 =	sadd.s32 s6, s29;
	s6 =	sor.u32 $0x1C02, s31;
	s8 =	sadd.s32 s8, s9  }
0xe: {  	s9 =	smax.u32 s10, $0x1;
	s10 =	sshrl.u32 s28, $0x3;
	s7 =	sadd.s32 $0xB800, s7  }
.LBB2_1:
0xf: {  	[spmem:s10], [sflag:s6] =	dma.local [hbm:s4], $0x500  }
0x10: {  	_ =	swait.ge [sflag:s11], $0x500  }
0x11: {  	[sflag:s11] =	ssyncset.done $0x0  }
0x12: {  	[sflag:s11] =	ssyncadd.s32 $0xFFFFFB00  }
0x13: {  	[tilespmem:s12], [sflag:$0x2] =	stream.linear.gather [hbm4b:s5+s3], $0x400, $0x38;
	[tilespmem:$0x5400] =	vst v63  }
0x14: {  	_ =	swait.ge [sflag:s11], $0x400  }
0x15: {  	[sflag:s11] =	ssyncset.done $0x0  }
0x16: {  	s15 =	simm.s32 $0x2800;
	[sflag:s11] =	ssyncadd.s32 $0xFFFFFC00  }
0x17: {  	[tilespmem:s15], [sflag:$0x2] =	stream.linear.gather [hbm4b:s7+s3], $0x2800, $0x38;
	[tilespmem:$0x5400] =	vst v63  }
0x18: {  	_ =	swait.ge [sflag:s11], $0x2800  }
0x19: {  	[sflag:s11] =	ssyncset.done $0x0  }
0x1a: {  	[sflag:s11] =	ssyncadd.s32 $0xFFFFD800  }
0x1b: {  	s16 =	simm.s32 $0x0;
	[bflag:$0x0] =	sbarrier.arrive $0xFFFF  }
.LBB2_2:
0x1c: {  	p0 =	sgt.u32 s16, $0x9F  }
0x1d: {  	s17 =	simm.s32 @!p0 $0x40;
	s18 =	simm.s32 @!p0 $0x5000;
	p1 =	slt.u32 @!p0 s16, $0x10  }
0x1e: {  	[spmem:s2] =	stream.indirect.scatter.add.f32 @!p0 [tilespmem:s18], [sflag:$0x1], $0x10, s15, s17, $0xb8;
	[tilespmem:$0x5400] =	vst v63  }
0x1f: {  	p0 =	por p0, !p1  }
0x20: {  	_ =	swait.ge @p0 [sflag:s13], $0x400  }
0x21: {  	s16 =	sadd.s32 $0x1, s16;
	[sflag:s13] =	ssyncset.done @p0 $0x0  }
0x22: {  	[sflag:s13] =	ssyncadd.s32 @p0 $0xFFFFFC00;
	p0 =	sne.s32 s16, $0xB0  }
.Ltmp0:
0x23: {  	_ = 	snop;
	(pc) =	sbr.rel @p0 .LBB2_2-.Ltmp0, $2  }
0x24: {  	_ =	sdelay $0x2  }
0x25: {  	s15 =	sadd.s32 $0x40, s15  }
0x26: {  	s14 =	sadd.s32 $0x1, s14  }
0x27: {  	p0 =	sne.s32 s14, s9  }
.Ltmp1:
0x28: {  	[bflag:$0x0] =	sbarrier.arrive $0xFFFF;
	(pc) =	sbr.rel @p0 .LBB2_1-.Ltmp1, $4  }
0x29: {  	[hbm:s8@s13], [sflag:s6] =	dma.strided [spmem:s10@s11], $0x280, s13, $0x1   }
0x2a: {  	_ =	swait.ge [sflag:s11], $0x280  }
0x2b: {  	[sflag:s11] =	ssyncset.done $0x0  }
0x2c: {  	[sflag:s11] =	ssyncadd.s32 $0xFFFFFD80  }
0x2d: {  	_ =	sfence.sel $0x180000  }
0x2e: {  	[bflag:$0x0] =	sbarrier.arrive $0xFFFF  }
0x2f: {  	p0 =	sne.s32 s1, $0x0;
	_ =	strace $0x90000047  }
0x30: {  	s0 =	sadd.s32 @!p0 $0x100000, s0;
	[bflag:$0x2] =	sbarrier.arrive $0xFFFF  }
0x31: {  	[sflag:s0] =	ssyncadd.tile.s32 @!p0 $0x1;
	_ =	shalt  }
.Lfunc_end2:
_tile_overlayer_lowered:
.L_overlay_start_2:
0x32: {  	(tag) =	ssettag $0x2  }
0x33: {  	s0 =	rddreg [dreg:$0x0];
	s2 =	stileid.u32  }
0x34: {  	s1 =	rddreg [dreg:$0x1];
	p0 =	sne.s32 s2, $0x0  }
0x35: {  	s3 =	rddreg [dreg:$0x2];
	[bflag:$0x3] =	sbarrier.arrive $0xFFFF;
	s2 =	simm.s32 @!p0 $0x1C02  }
0x36: {  	[timem:s3], [sflag:s2] =	dma.local @!p0 [hbm:s0], s1  }
0x37: {  	s0 =	simm.s32 @!p0 $0x2  }
0x38: {  	_ =	swait.ge @!p0 [sflag:s0], s1  }
0x39: {  	s1 =	ssub.s32 @!p0 $0x0, s1;
	[sflag:s0] =	ssyncset.done @!p0 $0x0  }
0x3a: {  	[sflag:s0] =	ssyncadd.s32 @!p0 s1  }
0x3b: {  	[bflag:$0x3] =	sbarrier.arrive $0xFFFF  }
0x3c: {  	_ =	shalt  }

// kernel: kernel.9.cloned.1.call-start
scs
__scs_entry_jumppad:
0x0: {  	(pc) =	sbr.rel $0x88, $3  }
0x1: {  	(tag) =	ssettag $0x0;
	lr =	simm.s32 $0x1  }
0x2: {  	[smem:$0x3F9D] =	sst lr;
	_ =	strace $0xD0000000  }
0x3: {  	_ = 	snop  }
0x4: {  	_ = 	snop  }
0x5: {  	_ = 	snop  }
0x6: {  	_ = 	snop  }
0x7: {  	_ = 	snop  }
__scs_overlays_trampoline_lowered:
0x8: {  	[smem:$0x3FAC] =	sst s0  }
0x9: {  	[smem:$0x3FAD] =	sst s1  }
0xa: {  	[smem:$0x3FAE] =	sst s2  }
0xb: {  	[smem:$0x3FAF] =	sst s3  }
0xc: {  	[smem:$0x3FB0] =	sst s4  }
0xd: {  	[smem:$0x3FB1] =	sst s5  }
0xe: {  	[smem:$0x3FB2] =	sst s6  }
0xf: {  	[smem:$0x3FB3] =	sst s7  }
0x10: {  	[smem:$0x3FB4] =	sst s8  }
0x11: {  	[smem:$0x3FB5] =	sst s9;
	s0 =	simm.s32 @!p0 $0x0  }
0x12: {  	s1 =	sld [smem:$0x3F9B];
	s0 =	simm.s32 @p0 $0x1  }
0x13: {  	[smem:$0x3FB6] =	sst s0;
	s0 =	simm.s32 @!p1 $0x0  }
0x14: {  	s2 =	sld [smem:$0x3F9A];
	s0 =	simm.s32 @p1 $0x1  }
0x15: {  	[smem:$0x3FB7] =	sst s0;
	s0 =	simm.s32 @!p2 $0x0  }
0x16: {  	s3 =	sld [smem:$0x3FDB];
	s0 =	simm.s32 @p2 $0x1  }
0x17: {  	s4 =	simm.s32 $0x1BF5;
	[smem:$0x3FB9] =	sst s0  }
0x18: {  	s0 =	sld [smem:$0x3F9C];
	_ =	swait.ge [sflag:s4], $0x0  }
0x19: {  	s7 =	sld [smem:$0x3F9D]  }
0x1a: {  	s8 =	sadd.s32 $0xFFFFE003, lr  }
0x1b: {  	s9 =	sadd.s32 $0xFFFFFEF7, lr;
	s5 =	simm.s32 $0xFFFFFFFF;
	p2 =	slt.u32 s8, $0xFFFFF086  }
0x1c: {  	p1 =	slt.u32 s9, $0xF7A;
	s5 =	simm.s32 @!p2 $0x0  }
0x1d: {  	s5 =	simm.s32 @p1 $0x1;
	p0 =	seq.s32 s7, s2  }
0x1e: {  	s7 =	smul.u32 @!p0 $0xF7A, s2;
	p2 =	seq.s32 @!p0 s5, $0x0  }
0x1f: {  	s9 =	smul.u32 $0xF7A, s1;
	s8 =	simm.s32 @!p0 $0x1BF5;
	p2 =	por !p2, p0  }
0x20: {  	[sflag:s8] =	ssyncset.s32 @!p0 $0xFFFFF086;
	s6 =	sadd.s32 @!p0 s3, s7;
	s7 =	simm.s32 @!p0 $0x108  }
0x21: {  	s3 =	sadd.s32 s3, s9;
	s6 =	sadd.s32 @!p0 $0x88, s6;
	s7 =	simm.s32 @p2 $0x1082  }
0x22: {  	[simem:s7], [sflag:s8] =	dma.local @!p0 [hbm:s6], $0xF7A  }
0x23: {  	s9 =	sor.u32 $0xD0000000, s2;
	s6 =	simm.s32 $0x108;
	_ =	swait.ge @!p0 [sflag:s8], $0x0  }
0x24: {  	s3 =	sadd.s32 $0x88, s3;
	s6 =	simm.s32 @!p1 $0x1082;
	[sflag:s4] =	ssyncset.s32 $0xFFFFF086  }
0x25: {  	[simem:s6], [sflag:s4] =	dma.local [hbm:s3], $0xF7A  }
0x26: {  	[smem:$0x3F9D] =	sst s1;
	(tag) =	ssettag s2;
	_ =	strace s9  }
0x27: {  	s1 =	sld [smem:$0x3FAD]  }
0x28: {  	s2 =	sld [smem:$0x3FAE]  }
0x29: {  	s4 =	sld [smem:$0x3FB0]  }
0x2a: {  	p0 =	seq.s32 s5, $0x0;
	s5 =	sld [smem:$0x3FB1]  }
0x2b: {  	s6 =	sld [smem:$0x3FB2]  }
0x2c: {  	s7 =	sld [smem:$0x3FB3]  }
0x2d: {  	s3 =	simm.s32 $0x108;
	s8 =	sld [smem:$0x3FB4]  }
0x2e: {  	s3 =	simm.s32 @!p0 $0x1082;
	s9 =	sld [smem:$0x3FB5]  }
0x2f: {  	lr =	sadd.s32 s0, s3;
	s0 =	sld [smem:$0x3FAC]  }
0x30: {  	s3 =	sld [smem:$0x3FAF]  }
0x31: {  	[smem:$0x3FB8] =	sst s10  }
0x32: {  	s10 =	sld [smem:$0x3FB6];
	_ =	sdelay $0x3  }
0x33: {  	p0 =	seq.s32 s10, $0x1;
	s10 =	sld [smem:$0x3FB8];
	_ =	sdelay $0x3  }
0x34: {  	[smem:$0x3FB8] =	sst s10  }
0x35: {  	s10 =	sld [smem:$0x3FB7];
	_ =	sdelay $0x3  }
0x36: {  	p1 =	seq.s32 s10, $0x1;
	s10 =	sld [smem:$0x3FB8];
	_ =	sdelay $0x3  }
0x37: {  	[smem:$0x3FB8] =	sst s10  }
0x38: {  	s10 =	sld [smem:$0x3FB9]  }
0x39: {  	_ = 	snop;
	(pc) =	sbr.ind lr, $3  }
0x3a: {  	_ = 	snop  }
0x3b: {  	_ = 	snop  }
0x3c: {  	p2 =	seq.s32 s10, $0x1;
	s10 =	sld [smem:$0x3FB8]  }
0x3d: {  	_ =	shalt  }
0x3e: {  	_ =	shalt  }
0x3f: {  	_ =	shalt  }
0x40: {  	_ =	shalt  }
0x41: {  	_ =	shalt  }
0x42: {  	_ =	shalt  }
0x43: {  	_ =	shalt  }
0x44: {  	_ =	shalt  }
0x45: {  	_ =	shalt  }
0x46: {  	_ =	shalt  }
0x47: {  	_ =	shalt  }
0x48: {  	_ =	shalt  }
0x49: {  	_ =	shalt  }
0x4a: {  	_ =	shalt  }
0x4b: {  	_ =	shalt  }
0x4c: {  	_ =	shalt  }
0x4d: {  	_ =	shalt  }
0x4e: {  	_ =	shalt  }
0x4f: {  	_ =	shalt  }
0x50: {  	_ =	shalt  }
0x51: {  	_ =	shalt  }
0x52: {  	_ =	shalt  }
0x53: {  	_ =	shalt  }
0x54: {  	_ =	shalt  }
0x55: {  	_ =	shalt  }
0x56: {  	_ =	shalt  }
0x57: {  	_ =	shalt  }
0x58: {  	_ =	shalt  }
0x59: {  	_ =	shalt  }
0x5a: {  	_ =	shalt  }
0x5b: {  	_ =	shalt  }
0x5c: {  	_ =	shalt  }
0x5d: {  	_ =	shalt  }
0x5e: {  	_ =	shalt  }
0x5f: {  	_ =	shalt  }
0x60: {  	_ =	shalt  }
0x61: {  	_ =	shalt  }
0x62: {  	_ =	shalt  }
0x63: {  	_ =	shalt  }
0x64: {  	_ =	shalt  }
0x65: {  	_ =	shalt  }
0x66: {  	_ =	shalt  }
0x67: {  	_ =	shalt  }
0x68: {  	_ =	shalt  }
0x69: {  	_ =	shalt  }
0x6a: {  	_ =	shalt  }
0x6b: {  	_ =	shalt  }
0x6c: {  	_ =	shalt  }
0x6d: {  	_ =	shalt  }
0x6e: {  	_ =	shalt  }
0x6f: {  	_ =	shalt  }
0x70: {  	_ =	shalt  }
0x71: {  	_ =	shalt  }
0x72: {  	_ =	shalt  }
0x73: {  	_ =	shalt  }
0x74: {  	_ =	shalt  }
0x75: {  	_ =	shalt  }
0x76: {  	_ =	shalt  }
0x77: {  	_ =	shalt  }
0x78: {  	_ =	shalt  }
0x79: {  	_ =	shalt  }
0x7a: {  	_ =	shalt  }
0x7b: {  	_ =	shalt  }
0x7c: {  	_ =	shalt  }
0x7d: {  	_ =	shalt  }
0x7e: {  	_ =	shalt  }
0x7f: {  	_ =	shalt  }
0x80: {  	_ =	shalt  }
0x81: {  	_ =	shalt  }
0x82: {  	_ =	shalt  }
0x83: {  	_ =	shalt  }
0x84: {  	_ =	shalt  }
0x85: {  	_ =	shalt  }
0x86: {  	_ =	shalt  }
0x87: {  	_ =	shalt  }
.Lfunc_end0:
.L_simem_size_0:
called_computation.1_lowered:
.L_overlay_start_0:
0x88: {  	s2 =	sld [smem:$0x3FD9]  }
0x89: {  	s3 =	sld [smem:$0x3FFE];
	_ =	sdelay $0x1  }
0x8a: {  	s1 =	srdreg.scid  }
0x8b: {  	s0 =	sand.u32 $0x1, s1  }
0x8c: {  	s17 =	sshll.u32 s0, $0xA;
	s2 =	sadd.s32 s3, s2  }
0x8d: {  	s2 =	sadd.s32 s2, s17  }
0x8e: {  	[smem:$0x3FC4] =	sst s2  }
0x8f: {  	_ = 	snop  }
0x90: {  	s2 =	sld [smem:$0x3FD0];
	(tm) =	ssettm $0x1  }
0x91: {  	s18 =	sld [smem:$0x3FFB];
	_ =	sdelay $0x3  }
0x92: {  	_ =	strace s18  }
0x93: {  	s3 =	sld [smem:$0x3FFC];
	_ =	sdelay $0x3  }
0x94: {  	_ =	strace s3  }
0x95: {  	s3 =	sld [smem:$0x3FFD];
	_ =	sdelay $0x3  }
0x96: {  	_ =	strace s3  }
0x97: {  	_ =	strace $0x8FFFFFFF  }
0x98: {  	s19 =	sld [smem:$0x3FDB];
	_ =	sdelay $0x1  }
0x99: {  	s4 =	simm.s32 $_scs_section_size  }
0x9a: {  	s5 =	simm.s32 $_size__tile_overlayer_lowered;
	s6 =	simm.s32 $_tile_overlayer_lowered  }
0x9b: {  	s22 =	simm.s32 $0x1BFF;
	s21 =	sshll.u32 s6, $0x1;
	s3 =	sadd.s32 s4, s19  }
0x9c: {  	s7 =	simm.s32 $0x0;
	s20 =	sshll.u32 s5, $0x1;
	s5 =	sadd.s32 s21, s3  }
0x9d: {  	[timem:s7], [sflag:s22] =	dma.local [hbm:s5], s20  }
0x9e: {  	_ =	swait.ge [sflag:s22], s20  }
0x9f: {  	s4 =	ssub.s32 $0x0, s20;
	[sflag:s22] =	ssyncset.done $0x0  }
0xa0: {  	[sflag:s22] =	ssyncadd.s32 s4;
	_ =	sdelay $0x1  }
0xa1: {  	s23 =	simm.s32 $0x1B8B  }
0xa2: {  	_ =	swait.ge [sflag:s23], $0x1  }
0xa3: {  	[sflag:s23] =	ssyncset.done $0x0  }
0xa4: {  	s25 =	simm.s32 $0x1B8E;
	s24 =	sld [smem:$0x3FFE];
	[sflag:s23] =	ssyncadd.s32 $0xFFFFFFFF  }
0xa5: {  	s26 =	simm.s32 $execute0_lowered;
	[smem:$0x3FD2] =	sst s25  }
0xa6: {  	s5 =	sshll.u32 s26, $0x1;
	_ =	strace $0x80000049;
	[dreg:$0x1] =	wrdreg $0xFFFFFFFF  }
0xa7: {  	s28 =	simm.s32 $_size_execute0_lowered;
	s3 =	sadd.s32 s3, s5;
	[dreg:$0x0] =	wrdreg $0x0  }
0xa8: {  	s5 =	sshll.u32 s28, $0x1;
	[dreg:$0x2] =	wrdreg s3  }
0xa9: {  	[dreg:$0x3] =	wrdreg s5  }
0xaa: {  	[dreg:$0x4] =	wrdreg $0xC0  }
0xab: {  	_ =	task [dreg:s7], $0x5FFFF  }
0xac: {  	[dreg:$0x1] =	wrdreg $0xFFFFFFFF  }
0xad: {  	[dreg:$0x0] =	wrdreg $0x60  }
0xae: {  	[dreg:$0x2] =	wrdreg s24  }
0xaf: {  	[dreg:$0x3] =	wrdreg s2  }
0xb0: {  	[dreg:$0x4] =	wrdreg $0x0  }
0xb1: {  	[dreg:$0x5] =	wrdreg $0x9  }
0xb2: {  	_ =	task.clear_ibuf [dreg:s7], $0x6FFFF;
	_ =	strace $0x90000049  }
0xb3: {  	s29 =	simm.s32 $0x9;
	_ =	strace $0x8000004B  }
0xb4: {  	_ =	swait.ge [sflag:s29], $0x1  }
0xb5: {  	[sflag:s29] =	ssyncadd.s32 $0xFFFFFFFF  }
0xb6: {  	_ =	strace $0x9000004B  }
0xb7: {  	_ =	sfence  }
0xb8: {  	s30 =	sld [smem:$0x0];
	_ =	sdelay $0x2  }
0xb9: {  	s31 =	sshll.u32 s1, $0xD;
	s1 =	sshrl.u32 s1, $0x2  }
0xba: {  	s3 =	sand.u32 $0x4000, s31;
	s1 =	sadd.s32 s1, s30  }
0xbb: {  	s0 =	sor.u32 s3, s0;
	s1 =	sshll.u32 s1, $0x11  }
0xbc: {  	s0 =	sor.u32 s1, s0  }
0xbd: {  	s0 =	sadd.s32 $0x8F2B, s0  }
0xbe: {  	[sflag:s0] =	ssyncadd.remote.s32 $0x1  }
0xbf: {  	_ =	sfence.sel $0xFFFF  }
0xc0: {  	[dreg:$0x0] =	wrdreg $0xFFFFFFFF;
	(pc) =	sbr.abs _section_cstart, $3  }
0xc1: {  	[dreg:$0x1] =	wrdreg $0xFFFFFFFF  }
0xc2: {  	_ =	task.clear_ibuf [dreg:s7], $0x2FFFF;
	_ =	strace $0x9FFFFFFF  }
0xc3: {  	(tm) =	ssettm $0x7FFFFFFF  }
tec
execute0_lowered:
.L_overlay_start_1:
0x0: {  	(tag) =	ssettag $0x1  }
0x1: {  	s0 =	rddreg [dreg:$0x0]  }
0x2: {  	s2 =	rddreg [dreg:$0x1];
	s1 =	srdreg.scid  }
0x3: {  	s12 =	stileid.u32;
	s3 =	rddreg [dreg:$0x2]  }
0x4: {  	s4 =	simm.s32 $0x0;
	s16 =	simm.s32 $0x1;
	s15 =	simm.s32 $0x14180  }
0x5: {  	s19 =	simm.s32 $0x40;
	s21 =	simm.s32 $0x2;
	s17 =	simm.s32 $0x16280  }
0x6: {  	s30 =	simm.s32 $0x6;
	s1 =	sand.u32 $0x1, s1;
	s6 =	smul.u32 $0x14000, s12  }
0x7: {  	[smem:$0x7FF] =	sst s4;
	s5 =	sadd.s32 $0x1800, s0;
	s8 =	sadd.s32 $0x15800, s0  }
0x8: {  	s10 =	sshll.u32 s12, $0x1;
	s24 =	smul.u32 $0xA00, s12;
	s25 =	sshll.u32 s12, $0x6  }
0x9: {  	s7 =	smul.u32 $0x140000, s1;
	_ =	strace $0x8000004A;
	[dreg:$0x5] =	wrdreg s8  }
0xa: {  	s22 =	ssub.s32 $0x2, s1;
	s23 =	sor.u32 s1, s10;
	s1 =	smul.u32 $0x500, s1  }
0xb: {  	s12 =	sor.u32 $0x1C10, s25;
	s25 =	simm.s32 $0x3;
	s10 =	simm.s32 $0x7  }
0xc: {  	s9 =	sshrl.u32 s22, $0x1;
	s8 =	smul.u32 $0xA0, s23;
	s26 =	sadd.s32 s24, s5  }
0xd: {  	s24 =	simm.s32 $0x1A280;
	[dreg:$0x6] =	wrdreg s12;
	s7 =	sadd.s32 s6, s7  }
0xe: {  	s11 =	ssub.s32 s22, s9;
	s6 =	sadd.s32 s6, s3;
	s9 =	sadd.s32 $0xB800, s0  }
0xf: {  	s29 =	sadd.s32 s1, s26;
	s22 =	simm.s32 $0x14240;
	s26 =	simm.s32 $0x16280  }
0x10: {  	s7 =	sshrl.u32 s7, $0x3;
	s31 =	smax.u32 s11, $0x1;
	[dreg:$0x4] =	wrdreg s29  }
0x11: {  	s6 =	sshrl.u32 s6, $0x3;
	s7 =	sadd.s32 s7, s0;
	[dreg:$0x8] =	wrdreg s31  }
0x12: {  	s11 =	simm.s32 $0x0;
	[dreg:$0x9] =	wrdreg s6;
	s28 =	sadd.s32 $0x18000, s7  }
0x13: {  	s0 =	simm.s32 $0x4;
	s7 =	simm.s32 $0x10;
	[dreg:$0x7] =	wrdreg s28  }
.LBB2_1:
0x14: {  	[dreg:$0xa] =	wrdreg s11  }
0x15: {  	s1 =	rddreg [dreg:$0x5]  }
0x16: {  	[spmem:s6], [sflag:s12] =	dma.local [hbm:s1], $0x2800  }
0x17: {  	_ =	swait.ge [sflag:s7], $0x2800  }
0x18: {  	[sflag:s7] =	ssyncset.done $0x0  }
0x19: {  	p0 =	por $0x1, $0x1;
	[sflag:s7] =	ssyncadd.s32 $0xFFFFD800  }
0x1a: {  	s7 =	simm.s32 @!p0 $0xB;
	[bflag:$0x0] =	sbarrier.arrive $0xFFFF  }
0x1b: {  	_ =	swait.ge @!p0 [sflag:s7], $0x2000  }
0x1c: {  	s18 =	rddreg [dreg:$0x4];
	[sflag:s7] =	ssyncset.done @!p0 $0x0  }
0x1d: {  	s20 =	simm.s32 $0x14000;
	[sflag:s7] =	ssyncadd.s32 @!p0 $0xFFFFE000;
	s7 =	sadd.s32 $0x0, s18  }
0x1e: {  	[tilespmem:s20], [sflag:$0x1] =	stream.linear.gather [hbm4b:s7+s4], $0x40, $0x38;
	[tilespmem:$0x1E280] =	vst v63  }
0x1f: {  	s12 =	simm.s32 @!p0 $0x5;
	s6 =	simm.s32 $0x14140;
	s11 =	sadd.s32 $0xA000, s7  }
0x20: {  	[tilespmem:s6], [sflag:$0x1] =	stream.linear.gather [hbm4b:s11+s4], $0x40, $0x38;
	[tilespmem:$0x1E280] =	vst v63  }
0x21: {  	_ =	swait.ge @!p0 [sflag:s12], $0x40  }
0x22: {  	[sflag:s12] =	ssyncset.done @!p0 $0x0  }
0x23: {  	[sflag:s12] =	ssyncadd.s32 @!p0 $0xFFFFFFC0  }
0x24: {  	_ =	swait.ge @!p0 [sflag:s12], $0x40  }
0x25: {  	s13 =	simm.s32 @!p0 $0x8;
	s23 =	simm.s32 @!p0 $0x14100;
	[sflag:s12] =	ssyncset.done @!p0 $0x0  }
0x26: {  	s11 =	simm.s32 @!p0 $0x1C280;
	[sflag:s12] =	ssyncadd.s32 @!p0 $0xFFFFFFC0;
	s12 =	simm.s32 @!p0 $0x40  }
0x27: {  	[tilespmem:s11], [sflag:$0xA] =	stream.indirect.gather @!p0 [hbm4b:s2+s12], $0x80, s23, s12, $0xb8;
	[tilespmem:$0x1E280] =	vst v63  }
0x28: {  	_ =	swait.ge @!p0 [sflag:s13], $0x2000  }
0x29: {  	[sflag:s13] =	ssyncset.done @!p0 $0x0  }
0x2a: {  	s23 =	simm.s32 @!p0 $0x18280;
	[sflag:s13] =	ssyncadd.s32 @!p0 $0xFFFFE000;
	s13 =	simm.s32 @!p0 $0x141C0  }
0x2b: {  	[spmem:s3] =	stream.indirect.scatter.add.f32 @!p0 [tilespmem:s23], [sflag:$0xD], $0x80, s13, s12, $0xb8;
	[tilespmem:$0x1E280] =	vst v63  }
0x2c: {  	s13 =	simm.s32 @!p0 $0x1  }
0x2d: {  	s23 =	simm.s32 @!p0 $0xC;
	s13 =	simm.s32 @p0 $0x1  }
0x2e: {  	_ =	swait.ge @!p0 [sflag:s23], $0x2000;
	s13 =	sadd.s32 s8, s13  }
0x2f: {  	[sflag:s23] =	ssyncset.done @!p0 $0x0;
	s13 =	sshll.u32 s13, $0x3  }
0x30: {  	s14 =	simm.s32 $0x14040;
	[sflag:s23] =	ssyncadd.s32 @!p0 $0xFFFFE000;
	s28 =	sadd.s32 s5, s13  }
0x31: {  	[tilespmem:s14], [sflag:$0x2] =	stream.linear.gather [hbm4b:s28+s4], $0x40, $0x38;
	[tilespmem:$0x1E280] =	vst v63  }
0x32: {  	s13 =	sadd.s32 s13, s9  }
0x33: {  	[tilespmem:s15], [sflag:$0x2] =	stream.linear.gather [hbm4b:s13+s4], $0x40, $0x38;
	[tilespmem:$0x1E280] =	vst v63  }
0x34: {  	_ =	swait.ge [sflag:s16], $0x40  }
0x35: {  	[sflag:s16] =	ssyncset.done $0x0  }
0x36: {  	[sflag:s16] =	ssyncadd.s32 $0xFFFFFFC0  }
0x37: {  	_ =	swait.ge [sflag:s16], $0x40  }
0x38: {  	[sflag:s16] =	ssyncset.done $0x0  }
0x39: {  	s13 =	simm.s32 @!p0 $0x9;
	s15 =	simm.s32 $0x14280;
	[sflag:s16] =	ssyncadd.s32 $0xFFFFFFC0  }
0x3a: {  	[tilespmem:s15], [sflag:$0x6] =	stream.indirect.gather [hbm4b:s2+s19], $0x80, s20, s19, $0xb8;
	[tilespmem:$0x1E280] =	vst v63  }
0x3b: {  	_ =	swait.ge @!p0 [sflag:s13], $0x2000  }
0x3c: {  	[sflag:s13] =	ssyncset.done @!p0 $0x0  }
0x3d: {  	s23 =	simm.s32 @!p0 $0x1A280;
	[sflag:s13] =	ssyncadd.s32 @!p0 $0xFFFFE000;
	s13 =	simm.s32 @!p0 $0x14200  }
0x3e: {  	[spmem:s3] =	stream.indirect.scatter.add.f32 @!p0 [tilespmem:s23], [sflag:$0xE], $0x80, s13, s12, $0xb8;
	[tilespmem:$0x1E280] =	vst v63  }
0x3f: {  	s13 =	simm.s32 @!p0 $0x2  }
0x40: {  	s23 =	simm.s32 @!p0 $0xD;
	s13 =	simm.s32 @p0 $0x2  }
0x41: {  	_ =	swait.ge @!p0 [sflag:s23], $0x2000;
	s13 =	sadd.s32 s8, s13  }
0x42: {  	[sflag:s23] =	ssyncset.done @!p0 $0x0;
	s13 =	sshll.u32 s13, $0x3  }
0x43: {  	s31 =	simm.s32 $0x14080;
	[sflag:s23] =	ssyncadd.s32 @!p0 $0xFFFFE000;
	s29 =	sadd.s32 s5, s13  }
0x44: {  	[tilespmem:s31], [sflag:$0x3] =	stream.linear.gather [hbm4b:s29+s4], $0x40, $0x38;
	[tilespmem:$0x1E280] =	vst v63  }
0x45: {  	s18 =	simm.s32 $0x141C0;
	s13 =	sadd.s32 s13, s9  }
0x46: {  	[tilespmem:s18], [sflag:$0x3] =	stream.linear.gather [hbm4b:s13+s4], $0x40, $0x38;
	[tilespmem:$0x1E280] =	vst v63  }
0x47: {  	_ =	swait.ge [sflag:s21], $0x40  }
0x48: {  	[sflag:s21] =	ssyncset.done $0x0  }
0x49: {  	[sflag:s21] =	ssyncadd.s32 $0xFFFFFFC0  }
0x4a: {  	_ =	swait.ge [sflag:s21], $0x40  }
0x4b: {  	[sflag:s21] =	ssyncset.done $0x0  }
0x4c: {  	s13 =	simm.s32 @!p0 $0xA;
	[sflag:s21] =	ssyncadd.s32 $0xFFFFFFC0  }
0x4d: {  	[tilespmem:s17], [sflag:$0x7] =	stream.indirect.gather [hbm4b:s2+s19], $0x80, s14, s19, $0xb8;
	[tilespmem:$0x1E280] =	vst v63  }
0x4e: {  	_ =	swait.ge @!p0 [sflag:s13], $0x2000  }
0x4f: {  	[sflag:s13] =	ssyncset.done @!p0 $0x0  }
0x50: {  	[sflag:s13] =	ssyncadd.s32 @!p0 $0xFFFFE000;
	s13 =	simm.s32 @!p0 $0x14240  }
0x51: {  	[spmem:s3] =	stream.indirect.scatter.add.f32 @!p0 [tilespmem:s11], [sflag:$0xF], $0x80, s13, s12, $0xb8;
	[tilespmem:$0x1E280] =	vst v63  }
0x52: {  	s11 =	simm.s32 $0x3  }
0x53: {  	s12 =	simm.s32 @!p0 $0xE;
	s11 =	simm.s32 @p0 $0x3  }
0x54: {  	_ =	swait.ge @!p0 [sflag:s12], $0x2000;
	s11 =	sadd.s32 s8, s11  }
0x55: {  	[sflag:s12] =	ssyncset.done @!p0 $0x0;
	s11 =	sshll.u32 s11, $0x3  }
0x56: {  	s20 =	simm.s32 $0x140C0;
	[sflag:s12] =	ssyncadd.s32 @!p0 $0xFFFFE000;
	s18 =	sadd.s32 s5, s11  }
0x57: {  	[tilespmem:s20], [sflag:$0x4] =	stream.linear.gather [hbm4b:s18+s4], $0x40, $0x38;
	[tilespmem:$0x1E280] =	vst v63  }
0x58: {  	s23 =	simm.s32 $0x14200;
	s11 =	sadd.s32 s11, s9  }
0x59: {  	[tilespmem:s23], [sflag:$0x4] =	stream.linear.gather [hbm4b:s11+s4], $0x40, $0x38;
	[tilespmem:$0x1E280] =	vst v63  }
0x5a: {  	_ =	swait.ge [sflag:s25], $0x40  }
0x5b: {  	[sflag:s25] =	ssyncset.done $0x0  }
0x5c: {  	[sflag:s25] =	ssyncadd.s32 $0xFFFFFFC0  }
0x5d: {  	_ =	swait.ge [sflag:s25], $0x40  }
0x5e: {  	[sflag:s25] =	ssyncset.done $0x0  }
0x5f: {  	s28 =	simm.s32 $0x18280;
	[sflag:s25] =	ssyncadd.s32 $0xFFFFFFC0  }
0x60: {  	[tilespmem:s28], [sflag:$0x8] =	stream.indirect.gather [hbm4b:s2+s19], $0x80, s31, s19, $0xb8;
	[tilespmem:$0x1E280] =	vst v63  }
0x61: {  	_ =	swait.ge [sflag:s30], $0x2000  }
0x62: {  	[sflag:s30] =	ssyncset.done $0x0  }
0x63: {  	s11 =	simm.s32 @!p0 $0xF;
	[sflag:s30] =	ssyncadd.s32 $0xFFFFE000  }
0x64: {  	[spmem:s3] =	stream.indirect.scatter.add.f32 [tilespmem:s15], [sflag:$0xB], $0x80, s6, s19, $0xb8;
	[tilespmem:$0x1E280] =	vst v63  }
0x65: {  	_ =	swait.ge @!p0 [sflag:s11], $0x2000  }
0x66: {  	[sflag:s11] =	ssyncset.done @!p0 $0x0  }
0x67: {  	s29 =	sadd.s32 $0x20, s7;
	s31 =	simm.s32 $0x14100;
	[sflag:s11] =	ssyncadd.s32 @!p0 $0xFFFFE000  }
0x68: {  	[tilespmem:s31], [sflag:$0x5] =	stream.linear.gather [hbm4b:s29+s4], $0x40, $0x38;
	[tilespmem:$0x1E280] =	vst v63  }
0x69: {  	s7 =	sadd.s32 $0xA020, s7  }
0x6a: {  	[tilespmem:s22], [sflag:$0x5] =	stream.linear.gather [hbm4b:s7+s4], $0x40, $0x38;
	[tilespmem:$0x1E280] =	vst v63  }
0x6b: {  	_ =	swait.ge [sflag:s0], $0x40  }
0x6c: {  	[sflag:s0] =	ssyncset.done $0x0  }
0x6d: {  	[sflag:s0] =	ssyncadd.s32 $0xFFFFFFC0  }
0x6e: {  	_ =	swait.ge [sflag:s0], $0x40  }
0x6f: {  	[sflag:s0] =	ssyncset.done $0x0  }
0x70: {  	[sflag:s0] =	ssyncadd.s32 $0xFFFFFFC0  }
0x71: {  	[tilespmem:s24], [sflag:$0x9] =	stream.indirect.gather [hbm4b:s2+s19], $0x80, s20, s19, $0xb8;
	[tilespmem:$0x1E280] =	vst v63  }
0x72: {  	s13 =	simm.s32 $0x28;
	s12 =	simm.s32 $0x8;
	_ =	swait.ge [sflag:s10], $0x2000  }
0x73: {  	s11 =	simm.s32 $0x50;
	p0 =	por $0x0, $0x0;
	[sflag:s10] =	ssyncset.done $0x0  }
.LBB2_2:
0x74: {  	s7 =	simm.s32 @!p0 $0xB;
	[sflag:s10] =	ssyncadd.s32 $0xFFFFE000;
	s20 =	simm.s32 $0x14180  }
0x75: {  	[spmem:s3] =	stream.indirect.scatter.add.f32 [tilespmem:s26], [sflag:$0xC], $0x80, s20, s19, $0xb8;
	[tilespmem:$0x1E280] =	vst v63  }
0x76: {  	_ =	swait.ge @!p0 [sflag:s7], $0x2000  }
0x77: {  	[sflag:s7] =	ssyncset.done @!p0 $0x0;
	s29 =	rddreg [dreg:$0x4]  }
0x78: {  	s15 =	simm.s32 $0x14000;
	[sflag:s7] =	ssyncadd.s32 @!p0 $0xFFFFE000;
	s7 =	sadd.s32 s13, s29  }
0x79: {  	[tilespmem:s15], [sflag:$0x1] =	stream.linear.gather [hbm4b:s7+s4], $0x40, $0x38;
	[tilespmem:$0x1E280] =	vst v63  }
0x7a: {  	s17 =	simm.s32 $0x14140;
	s29 =	simm.s32 @!p0 $0x5;
	s1 =	sadd.s32 $0xA000, s7  }
0x7b: {  	[tilespmem:s17], [sflag:$0x1] =	stream.linear.gather [hbm4b:s1+s4], $0x40, $0x38;
	[tilespmem:$0x1E280] =	vst v63  }
0x7c: {  	_ =	swait.ge @!p0 [sflag:s29], $0x40  }
0x7d: {  	[sflag:s29] =	ssyncset.done @!p0 $0x0  }
0x7e: {  	[sflag:s29] =	ssyncadd.s32 @!p0 $0xFFFFFFC0  }
0x7f: {  	s28 =	smov.u32 s11;
	s31 =	simm.s32 @!p0 $0x8;
	_ =	swait.ge @!p0 [sflag:s29], $0x40  }
0x80: {  	s13 =	smov.u32 s28;
	s28 =	simm.s32 @!p0 $0x1C280;
	[sflag:s29] =	ssyncset.done @!p0 $0x0  }
0x81: {  	s1 =	simm.s32 @!p0 $0x14100;
	[sflag:s29] =	ssyncadd.s32 @!p0 $0xFFFFFFC0;
	s29 =	simm.s32 @!p0 $0x40  }
0x82: {  	[tilespmem:s28], [sflag:$0xA] =	stream.indirect.gather @!p0 [hbm4b:s2+s29], $0x80, s1, s29, $0xb8;
	[tilespmem:$0x1E280] =	vst v63  }
0x83: {  	s6 =	sadd.s32 @!p0 $0xFFFFFFFE, s12;
	_ =	swait.ge @!p0 [sflag:s31], $0x2000  }
0x84: {  	s14 =	simm.s32 @!p0 $0xC;
	s6 =	simm.s32 @p0 $0x1;
	[sflag:s31] =	ssyncset.done @!p0 $0x0  }
0x85: {  	s1 =	simm.s32 @!p0 $0x18280;
	[sflag:s31] =	ssyncadd.s32 @!p0 $0xFFFFE000;
	s31 =	simm.s32 @!p0 $0x141C0  }
0x86: {  	[spmem:s3] =	stream.indirect.scatter.add.f32 @!p0 [tilespmem:s1], [sflag:$0xD], $0x80, s31, s29, $0xb8;
	[tilespmem:$0x1E280] =	vst v63  }
0x87: {  	s6 =	sadd.s32 s8, s6;
	_ =	swait.ge @!p0 [sflag:s14], $0x2000  }
0x88: {  	s1 =	sshll.u32 s6, $0x3;
	[sflag:s14] =	ssyncset.done @!p0 $0x0  }
0x89: {  	s18 =	simm.s32 $0x14040;
	[sflag:s14] =	ssyncadd.s32 @!p0 $0xFFFFE000;
	s14 =	sadd.s32 s5, s1  }
0x8a: {  	[tilespmem:s18], [sflag:$0x2] =	stream.linear.gather [hbm4b:s14+s4], $0x40, $0x38;
	[tilespmem:$0x1E280] =	vst v63  }
0x8b: {  	s1 =	sadd.s32 s1, s9  }
0x8c: {  	[tilespmem:s20], [sflag:$0x2] =	stream.linear.gather [hbm4b:s1+s4], $0x40, $0x38;
	[tilespmem:$0x1E280] =	vst v63  }
0x8d: {  	_ =	swait.ge [sflag:s16], $0x40  }
0x8e: {  	[sflag:s16] =	ssyncset.done $0x0  }
0x8f: {  	[sflag:s16] =	ssyncadd.s32 $0xFFFFFFC0  }
0x90: {  	_ =	swait.ge [sflag:s16], $0x40  }
0x91: {  	[sflag:s16] =	ssyncset.done $0x0  }
0x92: {  	s1 =	simm.s32 @!p0 $0x9;
	s20 =	simm.s32 $0x14280;
	[sflag:s16] =	ssyncadd.s32 $0xFFFFFFC0  }
0x93: {  	[tilespmem:s20], [sflag:$0x6] =	stream.indirect.gather [hbm4b:s2+s19], $0x80, s15, s19, $0xb8;
	[tilespmem:$0x1E280] =	vst v63  }
0x94: {  	s31 =	sadd.s32 @!p0 $0xFFFFFFFF, s12;
	_ =	swait.ge @!p0 [sflag:s1], $0x2000  }
0x95: {  	s6 =	simm.s32 @!p0 $0xD;
	s31 =	simm.s32 @p0 $0x2;
	[sflag:s1] =	ssyncset.done @!p0 $0x0  }
0x96: {  	s14 =	simm.s32 @!p0 $0x1A280;
	[sflag:s1] =	ssyncadd.s32 @!p0 $0xFFFFE000;
	s1 =	simm.s32 @!p0 $0x14200  }
0x97: {  	[spmem:s3] =	stream.indirect.scatter.add.f32 @!p0 [tilespmem:s14], [sflag:$0xE], $0x80, s1, s29, $0xb8;
	[tilespmem:$0x1E280] =	vst v63  }
0x98: {  	s15 =	sadd.s32 s8, s31;
	_ =	swait.ge @!p0 [sflag:s6], $0x2000  }
0x99: {  	s1 =	sshll.u32 s15, $0x3;
	[sflag:s6] =	ssyncset.done @!p0 $0x0  }
0x9a: {  	s14 =	simm.s32 $0x14080;
	s31 =	sadd.s32 s5, s1;
	[sflag:s6] =	ssyncadd.s32 @!p0 $0xFFFFE000  }
0x9b: {  	[tilespmem:s14], [sflag:$0x3] =	stream.linear.gather [hbm4b:s31+s4], $0x40, $0x38;
	[tilespmem:$0x1E280] =	vst v63  }
0x9c: {  	s15 =	simm.s32 $0x141C0;
	s1 =	sadd.s32 s1, s9  }
0x9d: {  	[tilespmem:s15], [sflag:$0x3] =	stream.linear.gather [hbm4b:s1+s4], $0x40, $0x38;
	[tilespmem:$0x1E280] =	vst v63  }
0x9e: {  	_ =	swait.ge [sflag:s21], $0x40  }
0x9f: {  	[sflag:s21] =	ssyncset.done $0x0  }
0xa0: {  	[sflag:s21] =	ssyncadd.s32 $0xFFFFFFC0  }
0xa1: {  	_ =	swait.ge [sflag:s21], $0x40  }
0xa2: {  	[sflag:s21] =	ssyncset.done $0x0  }
0xa3: {  	s1 =	simm.s32 @!p0 $0xA;
	[sflag:s21] =	ssyncadd.s32 $0xFFFFFFC0  }
0xa4: {  	[tilespmem:s26], [sflag:$0x7] =	stream.indirect.gather [hbm4b:s2+s19], $0x80, s18, s19, $0xb8;
	[tilespmem:$0x1E280] =	vst v63  }
0xa5: {  	s23 =	smov.u32 s12;
	_ =	swait.ge @!p0 [sflag:s1], $0x2000  }
0xa6: {  	s23 =	simm.s32 @p0 $0x3;
	[sflag:s1] =	ssyncset.done @!p0 $0x0  }
0xa7: {  	s6 =	simm.s32 @!p0 $0xE;
	[sflag:s1] =	ssyncadd.s32 @!p0 $0xFFFFE000;
	s1 =	simm.s32 @!p0 $0x14240  }
0xa8: {  	[spmem:s3] =	stream.indirect.scatter.add.f32 @!p0 [tilespmem:s28], [sflag:$0xF], $0x80, s1, s29, $0xb8;
	[tilespmem:$0x1E280] =	vst v63  }
0xa9: {  	s23 =	sadd.s32 s8, s23;
	_ =	swait.ge @!p0 [sflag:s6], $0x2000  }
0xaa: {  	s23 =	sshll.u32 s23, $0x3;
	[sflag:s6] =	ssyncset.done @!p0 $0x0  }
0xab: {  	s31 =	sadd.s32 s5, s23;
	[sflag:s6] =	ssyncadd.s32 @!p0 $0xFFFFE000;
	s6 =	simm.s32 $0x140C0  }
0xac: {  	[tilespmem:s6], [sflag:$0x4] =	stream.linear.gather [hbm4b:s31+s4], $0x40, $0x38;
	[tilespmem:$0x1E280] =	vst v63  }
0xad: {  	s15 =	sadd.s32 s23, s9;
	s18 =	simm.s32 $0x14200  }
0xae: {  	[tilespmem:s18], [sflag:$0x4] =	stream.linear.gather [hbm4b:s15+s4], $0x40, $0x38;
	[tilespmem:$0x1E280] =	vst v63  }
0xaf: {  	_ =	swait.ge [sflag:s25], $0x40  }
0xb0: {  	[sflag:s25] =	ssyncset.done $0x0  }
0xb1: {  	[sflag:s25] =	ssyncadd.s32 $0xFFFFFFC0  }
0xb2: {  	_ =	swait.ge [sflag:s25], $0x40  }
0xb3: {  	[sflag:s25] =	ssyncset.done $0x0  }
0xb4: {  	s23 =	simm.s32 $0x18280;
	[sflag:s25] =	ssyncadd.s32 $0xFFFFFFC0  }
0xb5: {  	[tilespmem:s23], [sflag:$0x8] =	stream.indirect.gather [hbm4b:s2+s19], $0x80, s14, s19, $0xb8;
	[tilespmem:$0x1E280] =	vst v63  }
0xb6: {  	_ =	swait.ge [sflag:s30], $0x2000  }
0xb7: {  	[sflag:s30] =	ssyncset.done $0x0  }
0xb8: {  	s1 =	simm.s32 @!p0 $0xF;
	[sflag:s30] =	ssyncadd.s32 $0xFFFFE000  }
0xb9: {  	[spmem:s3] =	stream.indirect.scatter.add.f32 [tilespmem:s20], [sflag:$0xB], $0x80, s17, s19, $0xb8;
	[tilespmem:$0x1E280] =	vst v63  }
0xba: {  	_ =	swait.ge @!p0 [sflag:s1], $0x2000  }
0xbb: {  	[sflag:s1] =	ssyncset.done @!p0 $0x0  }
0xbc: {  	s28 =	sadd.s32 $0x20, s7;
	s29 =	simm.s32 $0x14100;
	[sflag:s1] =	ssyncadd.s32 @!p0 $0xFFFFE000  }
0xbd: {  	[tilespmem:s29], [sflag:$0x5] =	stream.linear.gather [hbm4b:s28+s4], $0x40, $0x38;
	[tilespmem:$0x1E280] =	vst v63  }
0xbe: {  	s31 =	sadd.s32 $0xA020, s7  }
0xbf: {  	[tilespmem:s22], [sflag:$0x5] =	stream.linear.gather [hbm4b:s31+s4], $0x40, $0x38;
	[tilespmem:$0x1E280] =	vst v63  }
0xc0: {  	_ =	swait.ge [sflag:s0], $0x40  }
0xc1: {  	[sflag:s0] =	ssyncset.done $0x0  }
0xc2: {  	s11 =	sadd.s32 $0x28, s11;
	[sflag:s0] =	ssyncadd.s32 $0xFFFFFFC0  }
0xc3: {  	p1 =	sne.s32 s11, $0x500;
	_ =	swait.ge [sflag:s0], $0x40  }
.Ltmp0:
0xc4: {  	[sflag:s0] =	ssyncset.done $0x0;
	(pc) =	sbr.rel @p1 .LBB2_2-.Ltmp0, $4  }
0xc5: {  	[sflag:s0] =	ssyncadd.s32 $0xFFFFFFC0  }
0xc6: {  	[tilespmem:s24], [sflag:$0x9] =	stream.indirect.gather [hbm4b:s2+s19], $0x80, s6, s19, $0xb8;
	[tilespmem:$0x1E280] =	vst v63  }
0xc7: {  	_ =	swait.ge [sflag:s10], $0x2000  }
0xc8: {  	s12 =	sadd.s32 $0x5, s12;
	p0 =	seq.s32 s13, $0x0;
	[sflag:s10] =	ssyncset.done $0x0  }
0xc9: {  	s1 =	simm.s32 @!p0 $0xB  }
0xca: {  	[sflag:s10] =	ssyncadd.s32 $0xFFFFE000;
	s18 =	simm.s32 $0x14180;
	s22 =	simm.s32 $0x16280  }
0xcb: {  	[spmem:s3] =	stream.indirect.scatter.add.f32 [tilespmem:s22], [sflag:$0xC], $0x80, s18, s19, $0xb8;
	[tilespmem:$0x1E280] =	vst v63  }
0xcc: {  	_ =	swait.ge @!p0 [sflag:s1], $0x2000  }
0xcd: {  	s6 =	rddreg [dreg:$0x4];
	[sflag:s1] =	ssyncset.done @!p0 $0x0  }
0xce: {  	s14 =	simm.s32 $0x14000;
	[sflag:s1] =	ssyncadd.s32 @!p0 $0xFFFFE000;
	s7 =	sadd.s32 s13, s6  }
0xcf: {  	[tilespmem:s14], [sflag:$0x1] =	stream.linear.gather [hbm4b:s7+s4], $0x40, $0x38;
	[tilespmem:$0x1E280] =	vst v63  }
0xd0: {  	s15 =	simm.s32 $0x14140;
	s6 =	simm.s32 @!p0 $0x5;
	s24 =	sadd.s32 $0xA000, s7  }
0xd1: {  	[tilespmem:s15], [sflag:$0x1] =	stream.linear.gather [hbm4b:s24+s4], $0x40, $0x38;
	[tilespmem:$0x1E280] =	vst v63  }
0xd2: {  	_ =	swait.ge @!p0 [sflag:s6], $0x40  }
0xd3: {  	[sflag:s6] =	ssyncset.done @!p0 $0x0  }
0xd4: {  	[sflag:s6] =	ssyncadd.s32 @!p0 $0xFFFFFFC0  }
0xd5: {  	_ =	swait.ge @!p0 [sflag:s6], $0x40  }
0xd6: {  	s11 =	simm.s32 @!p0 $0x8;
	s1 =	simm.s32 @!p0 $0x1C280;
	[sflag:s6] =	ssyncset.done @!p0 $0x0  }
0xd7: {  	s13 =	simm.s32 @!p0 $0x14100;
	[sflag:s6] =	ssyncadd.s32 @!p0 $0xFFFFFFC0;
	s6 =	simm.s32 @!p0 $0x40  }
0xd8: {  	[tilespmem:s1], [sflag:$0xA] =	stream.indirect.gather @!p0 [hbm4b:s2+s6], $0x80, s13, s6, $0xb8;
	[tilespmem:$0x1E280] =	vst v63  }
0xd9: {  	_ =	swait.ge @!p0 [sflag:s11], $0x2000  }
0xda: {  	[sflag:s11] =	ssyncset.done @!p0 $0x0  }
0xdb: {  	s13 =	simm.s32 @!p0 $0x18280;
	[sflag:s11] =	ssyncadd.s32 @!p0 $0xFFFFE000;
	s11 =	simm.s32 @!p0 $0x141C0  }
0xdc: {  	[spmem:s3] =	stream.indirect.scatter.add.f32 @!p0 [tilespmem:s13], [sflag:$0xD], $0x80, s11, s6, $0xb8;
	[tilespmem:$0x1E280] =	vst v63  }
0xdd: {  	s11 =	sadd.s32 @!p0 $0xFFFFFFFE, s12  }
0xde: {  	s13 =	simm.s32 @!p0 $0xC;
	s11 =	simm.s32 @p0 $0x1  }
0xdf: {  	_ =	swait.ge @!p0 [sflag:s13], $0x2000;
	s11 =	sadd.s32 s8, s11  }
0xe0: {  	[sflag:s13] =	ssyncset.done @!p0 $0x0;
	s11 =	sshll.u32 s11, $0x3  }
0xe1: {  	s17 =	simm.s32 $0x14040;
	[sflag:s13] =	ssyncadd.s32 @!p0 $0xFFFFE000;
	s28 =	sadd.s32 s5, s11  }
0xe2: {  	[tilespmem:s17], [sflag:$0x2] =	stream.linear.gather [hbm4b:s28+s4], $0x40, $0x38;
	[tilespmem:$0x1E280] =	vst v63  }
0xe3: {  	s11 =	sadd.s32 s11, s9  }
0xe4: {  	[tilespmem:s18], [sflag:$0x2] =	stream.linear.gather [hbm4b:s11+s4], $0x40, $0x38;
	[tilespmem:$0x1E280] =	vst v63  }
0xe5: {  	_ =	swait.ge [sflag:s16], $0x40  }
0xe6: {  	[sflag:s16] =	ssyncset.done $0x0  }
0xe7: {  	[sflag:s16] =	ssyncadd.s32 $0xFFFFFFC0  }
0xe8: {  	_ =	swait.ge [sflag:s16], $0x40  }
0xe9: {  	[sflag:s16] =	ssyncset.done $0x0  }
0xea: {  	s20 =	simm.s32 $0x14280;
	s11 =	simm.s32 @!p0 $0x9;
	[sflag:s16] =	ssyncadd.s32 $0xFFFFFFC0  }
0xeb: {  	[tilespmem:s20], [sflag:$0x6] =	stream.indirect.gather [hbm4b:s2+s19], $0x80, s14, s19, $0xb8;
	[tilespmem:$0x1E280] =	vst v63  }
0xec: {  	_ =	swait.ge @!p0 [sflag:s11], $0x2000  }
0xed: {  	[sflag:s11] =	ssyncset.done @!p0 $0x0  }
0xee: {  	s13 =	simm.s32 @!p0 $0x1A280;
	[sflag:s11] =	ssyncadd.s32 @!p0 $0xFFFFE000;
	s11 =	simm.s32 @!p0 $0x14200  }
0xef: {  	[spmem:s3] =	stream.indirect.scatter.add.f32 @!p0 [tilespmem:s13], [sflag:$0xE], $0x80, s11, s6, $0xb8;
	[tilespmem:$0x1E280] =	vst v63  }
0xf0: {  	s11 =	sadd.s32 @!p0 $0xFFFFFFFF, s12  }
0xf1: {  	s13 =	simm.s32 @!p0 $0xD;
	s11 =	simm.s32 @p0 $0x2  }
0xf2: {  	_ =	swait.ge @!p0 [sflag:s13], $0x2000;
	s11 =	sadd.s32 s8, s11  }
0xf3: {  	[sflag:s13] =	ssyncset.done @!p0 $0x0;
	s11 =	sshll.u32 s11, $0x3  }
0xf4: {  	s31 =	simm.s32 $0x14080;
	[sflag:s13] =	ssyncadd.s32 @!p0 $0xFFFFE000;
	s29 =	sadd.s32 s5, s11  }
0xf5: {  	[tilespmem:s31], [sflag:$0x3] =	stream.linear.gather [hbm4b:s29+s4], $0x40, $0x38;
	[tilespmem:$0x1E280] =	vst v63  }
0xf6: {  	s13 =	simm.s32 $0x141C0;
	s11 =	sadd.s32 s11, s9  }
0xf7: {  	[tilespmem:s13], [sflag:$0x3] =	stream.linear.gather [hbm4b:s11+s4], $0x40, $0x38;
	[tilespmem:$0x1E280] =	vst v63  }
0xf8: {  	_ =	swait.ge [sflag:s21], $0x40  }
0xf9: {  	[sflag:s21] =	ssyncset.done $0x0  }
0xfa: {  	[sflag:s21] =	ssyncadd.s32 $0xFFFFFFC0  }
0xfb: {  	_ =	swait.ge [sflag:s21], $0x40  }
0xfc: {  	[sflag:s21] =	ssyncset.done $0x0  }
0xfd: {  	s11 =	simm.s32 @!p0 $0xA;
	[sflag:s21] =	ssyncadd.s32 $0xFFFFFFC0  }
0xfe: {  	[tilespmem:s22], [sflag:$0x7] =	stream.indirect.gather [hbm4b:s2+s19], $0x80, s17, s19, $0xb8;
	[tilespmem:$0x1E280] =	vst v63  }
0xff: {  	_ =	swait.ge @!p0 [sflag:s11], $0x2000  }
0x100: {  	[sflag:s11] =	ssyncset.done @!p0 $0x0  }
0x101: {  	[sflag:s11] =	ssyncadd.s32 @!p0 $0xFFFFE000;
	s11 =	simm.s32 @!p0 $0x14240  }
0x102: {  	[spmem:s3] =	stream.indirect.scatter.add.f32 @!p0 [tilespmem:s1], [sflag:$0xF], $0x80, s11, s6, $0xb8;
	[tilespmem:$0x1E280] =	vst v63  }
0x103: {  	s12 =	simm.s32 @p0 $0x3;
	s1 =	simm.s32 @!p0 $0xE  }
0x104: {  	s17 =	sadd.s32 s8, s12;
	_ =	swait.ge @!p0 [sflag:s1], $0x2000  }
0x105: {  	s6 =	sshll.u32 s17, $0x3;
	[sflag:s1] =	ssyncset.done @!p0 $0x0  }
0x106: {  	s24 =	simm.s32 $0x140C0;
	s23 =	sadd.s32 s5, s6;
	[sflag:s1] =	ssyncadd.s32 @!p0 $0xFFFFE000  }
0x107: {  	[tilespmem:s24], [sflag:$0x4] =	stream.linear.gather [hbm4b:s23+s4], $0x40, $0x38;
	[tilespmem:$0x1E280] =	vst v63  }
0x108: {  	s28 =	sadd.s32 s6, s9;
	s6 =	simm.s32 $0x14200  }
0x109: {  	[tilespmem:s6], [sflag:$0x4] =	stream.linear.gather [hbm4b:s28+s4], $0x40, $0x38;
	[tilespmem:$0x1E280] =	vst v63  }
0x10a: {  	_ =	swait.ge [sflag:s25], $0x40  }
0x10b: {  	[sflag:s25] =	ssyncset.done $0x0  }
0x10c: {  	[sflag:s25] =	ssyncadd.s32 $0xFFFFFFC0  }
0x10d: {  	_ =	swait.ge [sflag:s25], $0x40  }
0x10e: {  	[sflag:s25] =	ssyncset.done $0x0  }
0x10f: {  	s12 =	simm.s32 $0x18280;
	[sflag:s25] =	ssyncadd.s32 $0xFFFFFFC0  }
0x110: {  	[tilespmem:s12], [sflag:$0x8] =	stream.indirect.gather [hbm4b:s2+s19], $0x80, s31, s19, $0xb8;
	[tilespmem:$0x1E280] =	vst v63  }
0x111: {  	_ =	swait.ge [sflag:s30], $0x2000  }
0x112: {  	[sflag:s30] =	ssyncset.done $0x0  }
0x113: {  	s1 =	simm.s32 @!p0 $0xF;
	[sflag:s30] =	ssyncadd.s32 $0xFFFFE000  }
0x114: {  	[spmem:s3] =	stream.indirect.scatter.add.f32 [tilespmem:s20], [sflag:$0xB], $0x80, s15, s19, $0xb8;
	[tilespmem:$0x1E280] =	vst v63  }
0x115: {  	_ =	swait.ge @!p0 [sflag:s1], $0x2000  }
0x116: {  	[sflag:s1] =	ssyncset.done @!p0 $0x0  }
0x117: {  	s29 =	sadd.s32 $0x20, s7;
	s31 =	simm.s32 $0x14100;
	[sflag:s1] =	ssyncadd.s32 @!p0 $0xFFFFE000  }
0x118: {  	[tilespmem:s31], [sflag:$0x5] =	stream.linear.gather [hbm4b:s29+s4], $0x40, $0x38;
	[tilespmem:$0x1E280] =	vst v63  }
0x119: {  	s17 =	sadd.s32 $0xA020, s7;
	s7 =	simm.s32 $0x14240  }
0x11a: {  	[tilespmem:s7], [sflag:$0x5] =	stream.linear.gather [hbm4b:s17+s4], $0x40, $0x38;
	[tilespmem:$0x1E280] =	vst v63  }
0x11b: {  	_ =	swait.ge [sflag:s0], $0x40  }
0x11c: {  	[sflag:s0] =	ssyncset.done $0x0  }
0x11d: {  	[sflag:s0] =	ssyncadd.s32 $0xFFFFFFC0  }
0x11e: {  	_ =	swait.ge [sflag:s0], $0x40  }
0x11f: {  	[sflag:s0] =	ssyncset.done $0x0  }
0x120: {  	s20 =	simm.s32 $0x1A280;
	[sflag:s0] =	ssyncadd.s32 $0xFFFFFFC0  }
0x121: {  	[tilespmem:s20], [sflag:$0x9] =	stream.indirect.gather [hbm4b:s2+s19], $0x80, s24, s19, $0xb8;
	[tilespmem:$0x1E280] =	vst v63  }
0x122: {  	_ =	swait.ge [sflag:s10], $0x2000  }
0x123: {  	[sflag:s10] =	ssyncset.done $0x0  }
0x124: {  	s23 =	simm.s32 $0xB;
	[sflag:s10] =	ssyncadd.s32 $0xFFFFE000  }
0x125: {  	[spmem:s3] =	stream.indirect.scatter.add.f32 [tilespmem:s22], [sflag:$0xC], $0x80, s18, s19, $0xb8;
	[tilespmem:$0x1E280] =	vst v63  }
0x126: {  	_ =	swait.ge [sflag:s23], $0x2000  }
0x127: {  	[sflag:s23] =	ssyncset.done $0x0  }
0x128: {  	s24 =	simm.s32 $0x5;
	[sflag:s23] =	ssyncadd.s32 $0xFFFFE000  }
0x129: {  	_ =	swait.ge [sflag:s24], $0x40  }
0x12a: {  	[sflag:s24] =	ssyncset.done $0x0  }
0x12b: {  	[sflag:s24] =	ssyncadd.s32 $0xFFFFFFC0  }
0x12c: {  	_ =	swait.ge [sflag:s24], $0x40  }
0x12d: {  	[sflag:s24] =	ssyncset.done $0x0  }
0x12e: {  	s28 =	simm.s32 $0x1C280;
	s29 =	simm.s32 $0x8;
	[sflag:s24] =	ssyncadd.s32 $0xFFFFFFC0  }
0x12f: {  	[tilespmem:s28], [sflag:$0xA] =	stream.indirect.gather [hbm4b:s2+s19], $0x80, s31, s19, $0xb8;
	[tilespmem:$0x1E280] =	vst v63  }
0x130: {  	_ =	swait.ge [sflag:s29], $0x2000  }
0x131: {  	[sflag:s29] =	ssyncset.done $0x0  }
0x132: {  	s31 =	simm.s32 $0x9;
	[sflag:s29] =	ssyncadd.s32 $0xFFFFE000  }
0x133: {  	[spmem:s3] =	stream.indirect.scatter.add.f32 [tilespmem:s12], [sflag:$0xD], $0x80, s13, s19, $0xb8;
	[tilespmem:$0x1E280] =	vst v63  }
0x134: {  	_ =	swait.ge [sflag:s31], $0x2000  }
0x135: {  	[sflag:s31] =	ssyncset.done $0x0  }
0x136: {  	s13 =	simm.s32 $0xA;
	[sflag:s31] =	ssyncadd.s32 $0xFFFFE000  }
0x137: {  	[spmem:s3] =	stream.indirect.scatter.add.f32 [tilespmem:s20], [sflag:$0xE], $0x80, s6, s19, $0xb8;
	[tilespmem:$0x1E280] =	vst v63  }
0x138: {  	_ =	swait.ge [sflag:s13], $0x2000  }
0x139: {  	[sflag:s13] =	ssyncset.done $0x0  }
0x13a: {  	s14 =	simm.s32 $0xC;
	[sflag:s13] =	ssyncadd.s32 $0xFFFFE000  }
0x13b: {  	[spmem:s3] =	stream.indirect.scatter.add.f32 [tilespmem:s28], [sflag:$0xF], $0x80, s7, s19, $0xb8;
	[tilespmem:$0x1E280] =	vst v63  }
0x13c: {  	_ =	swait.ge [sflag:s14], $0x2000  }
0x13d: {  	[sflag:s14] =	ssyncset.done $0x0  }
0x13e: {  	s18 =	simm.s32 $0xD;
	[sflag:s14] =	ssyncadd.s32 $0xFFFFE000  }
0x13f: {  	_ =	swait.ge [sflag:s18], $0x2000  }
0x140: {  	[sflag:s18] =	ssyncset.done $0x0  }
0x141: {  	s20 =	simm.s32 $0xE;
	[sflag:s18] =	ssyncadd.s32 $0xFFFFE000  }
0x142: {  	_ =	swait.ge [sflag:s20], $0x2000  }
0x143: {  	[sflag:s20] =	ssyncset.done $0x0  }
0x144: {  	s23 =	simm.s32 $0xF;
	[sflag:s20] =	ssyncadd.s32 $0xFFFFE000  }
0x145: {  	_ =	swait.ge [sflag:s23], $0x2000  }
0x146: {  	[sflag:s23] =	ssyncset.done $0x0  }
0x147: {  	[sflag:s23] =	ssyncadd.s32 $0xFFFFE000  }
0x148: {  	[bflag:$0x0] =	sbarrier.arrive $0xFFFF  }
0x149: {  	s12 =	rddreg [dreg:$0x6]  }
0x14a: {  	s28 =	rddreg [dreg:$0x7]  }
0x14b: {  	s7 =	simm.s32 $0x10;
	s6 =	rddreg [dreg:$0x9]  }
0x14c: {  	[hbm:s28], [sflag:s12] =	dma.local [spmem:s6], $0x2800  }
0x14d: {  	_ =	swait.ge [sflag:s7], $0x2800  }
0x14e: {  	s29 =	rddreg [dreg:$0xa]  }
0x14f: {  	s31 =	rddreg [dreg:$0x8];
	s11 =	sadd.s32 $0x1, s29  }
0x150: {  	p0 =	sne.s32 s11, s31  }
.Ltmp1:
0x151: {  	_ = 	snop;
	(pc) =	sbr.rel @p0 .LBB2_1-.Ltmp1, $3  }
0x152: {  	_ =	sdelay $0x1  }
0x153: {  	s15 =	simm.s32 $0x14180;
	s17 =	simm.s32 $0x16280;
	[sflag:s7] =	ssyncset.done $0x0  }
0x154: {  	s22 =	simm.s32 $0x14240;
	s24 =	simm.s32 $0x1A280;
	[sflag:s7] =	ssyncadd.s32 $0xFFFFD800  }
0x155: {  	_ =	sfence.sel $0x180000  }
0x156: {  	[bflag:$0x0] =	sbarrier.arrive $0xFFFF  }
0x157: {  	_ =	strace $0x9000004A  }
0x158: {  	s0 =	stileid.u32;
	[bflag:$0x2] =	sbarrier.arrive $0xFFFF  }
0x159: {  	p0 =	sne.s32 s0, $0x0;
	s0 =	rddreg [dreg:$0x3]  }
0x15a: {  	s0 =	sadd.s32 @!p0 $0x100000, s0  }
0x15b: {  	[sflag:s0] =	ssyncadd.tile.s32 @!p0 $0x1;
	_ =	shalt  }
.Lfunc_end2:
_tile_overlayer_lowered:
.L_overlay_start_2:
0x15c: {  	(tag) =	ssettag $0x2  }
0x15d: {  	s0 =	rddreg [dreg:$0x0];
	s2 =	stileid.u32  }
0x15e: {  	s1 =	rddreg [dreg:$0x1];
	p0 =	sne.s32 s2, $0x0  }
0x15f: {  	s3 =	rddreg [dreg:$0x2];
	[bflag:$0x3] =	sbarrier.arrive $0xFFFF;
	s2 =	simm.s32 @!p0 $0x1C10  }
0x160: {  	[timem:s3], [sflag:s2] =	dma.local @!p0 [hbm:s0], s1  }
0x161: {  	s0 =	simm.s32 @!p0 $0x10  }
0x162: {  	_ =	swait.ge @!p0 [sflag:s0], s1  }
0x163: {  	s1 =	ssub.s32 @!p0 $0x0, s1;
	[sflag:s0] =	ssyncset.done @!p0 $0x0  }
0x164: {  	[sflag:s0] =	ssyncadd.s32 @!p0 s1  }
0x165: {  	[bflag:$0x3] =	sbarrier.arrive $0xFFFF  }
0x166: {  	_ =	shalt  }

</sc_bundles>
